<compile_context>
chip_gen: v7x
topology: tpu7x:2x2x1
jax: 0.10.2.dev20260603
libtpu: 0.0.44.dev20260713+nightly
codegen_flags: <defaults>
</compile_context>

<pallas_src>
import functools

import jax
import jax.numpy as jnp
from jax import lax
from jax.experimental import pallas as pl
from jax.experimental.pallas import tpu as pltpu
from jax.experimental.pallas import tpu_sc as plsc

_LANES = 128


def _mm_argmax_body(x_ref, e_ref, dist_ref, ind_ref, *, bp, bn):
    c = e_ref.shape[0]
    n_pan = c // bp
    ch_per_pan = bp // _LANES
    lane = lax.broadcasted_iota(jnp.int32, (bn, _LANES), 1)

    run_max = jnp.full((bn, _LANES), -jnp.inf, jnp.float32)
    run_idx = jnp.zeros((bn, _LANES), jnp.int32)
    for p in range(n_pan):
        d = lax.dot_general(
            x_ref[...], e_ref[pl.ds(p * bp, bp), :],
            dimension_numbers=(((1,), (1,)), ((), ())),
            preferred_element_type=jnp.float32,
        )
        dist_ref[:, pl.ds(p * bp, bp)] = d
        for q in range(ch_per_pan):
            blk = d[:, q * _LANES:(q + 1) * _LANES]
            upd = blk > run_max
            run_max = jnp.maximum(run_max, blk)
            run_idx = jnp.where(upd, lane + (p * bp + q * _LANES), run_idx)

    m = jnp.max(run_max, axis=1)
    loc = jnp.min(jnp.where(run_max == m[:, None], run_idx, jnp.int32(2**30)), axis=1)
    ind_ref[...] = loc


def _matmul_argmax(xf, emb, bn=256, bp=4096):
    n, d = xf.shape
    c = emb.shape[0]
    grid = (n // bn,)
    return pl.pallas_call(
        functools.partial(_mm_argmax_body, bp=bp, bn=bn),
        grid=grid,
        in_specs=[
            pl.BlockSpec((bn, d), lambda i: (i, 0)),
            pl.BlockSpec((c, d), lambda i: (0, 0)),
        ],
        out_specs=[
            pl.BlockSpec((bn, c), lambda i: (i, 0)),
            pl.BlockSpec((bn,), lambda i: (i,)),
        ],
        out_shape=[
            jax.ShapeDtypeStruct((n, c), jnp.float32),
            jax.ShapeDtypeStruct((n,), jnp.int32),
        ],
    )(xf, emb)


def _gather_rows(emb, idx):
    c, d = emb.shape
    b = idx.shape[0]
    info = plsc.get_sparse_core_info()
    nw = info.num_cores * info.num_subcores
    b_per_w = b // nw
    ch = 96
    n_ch = b_per_w // ch
    mesh = plsc.VectorSubcoreMesh(core_axis_name="c", subcore_axis_name="s")

    @functools.partial(
        pl.kernel,
        mesh=mesh,
        out_type=jax.ShapeDtypeStruct((b, d), jnp.float32),
        scratch_types=[
            pltpu.VMEM((n_ch, ch), jnp.int32),
            pltpu.VMEM((b_per_w, d), jnp.float32),
            pltpu.SemaphoreType.DMA,
        ],
    )
    def k(emb_hbm, idx_hbm, out_hbm, idx_v, rows_v, sem):
        wid = lax.axis_index("s") * info.num_cores + lax.axis_index("c")
        for j in range(n_ch):
            pltpu.sync_copy(
                idx_hbm.at[pl.ds(wid * b_per_w + j * ch, ch)], idx_v.at[j]
            )
        copies = [
            pltpu.async_copy(
                emb_hbm.at[idx_v.at[j]], rows_v.at[pl.ds(j * ch, ch)], sem
            )
            for j in range(n_ch)
        ]
        for cp in copies:
            cp.wait()
        pltpu.sync_copy(rows_v, out_hbm.at[pl.ds(wid * b_per_w, b_per_w)])

    return k(emb, idx)


def kernel(x, embeddings):
    x = x.astype(jnp.float32)
    bsz, n, d = x.shape
    emb = embeddings.reshape(embeddings.shape[-2], d)
    xf = x.reshape(bsz * n, d)
    dist, ind = _matmul_argmax(xf, emb)
    quant = _gather_rows(emb, ind)
    quantize = quant.reshape(bsz, n, d)
    embed_ind = ind.reshape(bsz, n)
    dist_unpacked = dist.reshape(1, bsz, n, emb.shape[0])
    return (quantize, embed_ind, dist_unpacked)

# --- scband reference (transcript-rebuilt; emitter-appended) ---
"""Pipeline reference for scband-cosine-sim-codebook-89550068122198 (READ-ONLY COPY).

The authoritative reference and input builder live on the scoring server;
editing this copy changes nothing except your own understanding.
"""

import jax, jax.numpy as jnp
import numpy as np


def l2norm(t, eps=1e-12):
    return t / (jnp.linalg.norm(t, axis=-1, keepdims=True) + eps)


def setup_inputs(seed: int = 0) -> dict:
    key = jax.random.key(seed)
    k1, k2 = jax.random.split(key)
    x = jax.random.normal(k1, (16, 576, 256), dtype=jnp.float32)
    # codebook buffer: uniform init followed by l2norm, matching
    # l2norm(uniform_init(num_codebooks, codebook_size, dim))
    embeddings = jax.random.uniform(k2, (1, 8192, 256), dtype=jnp.float32, minval=-1.0, maxval=1.0)
    embeddings = l2norm(embeddings)
    return {"x": x, "embeddings": embeddings}


def reference(x, embeddings):
    # Eval-mode forward of CosineSimCodebook (training=False -> gumbel_sample
    # degenerates to argmax; EMA update and code expiry are skipped).
    x = x.astype(jnp.float32)
    needs_codebook_dim = x.ndim < 4
    if needs_codebook_dim:
        x = x[None, ...]  # add codebook (h) dim
    h, b, n, d = x.shape
    flatten = x.reshape(h, b * n, d)  # pack_one 'h * d'
    # dist = einsum('h n d, h c d -> h n c', flatten, embeddings)
    dist = jnp.einsum('hnd,hcd->hnc', flatten, embeddings)
    # gumbel_sample with training=False: hard argmax over codes
    embed_ind_flat = jnp.argmax(dist, axis=-1)  # [h, b*n]
    embed_ind = embed_ind_flat.reshape(h, b, n)  # unpack_one 'h *'
    # batched_embedding: gather codes per codebook
    quantize = jax.vmap(lambda e, idx: jnp.take(e, idx, axis=0))(embeddings, embed_ind)  # [h, b, n, d]
    dist_unpacked = dist.reshape(h, b, n, -1)  # unpack_one 'h * d'
    if needs_codebook_dim:
        quantize = quantize[0]
        embed_ind = embed_ind[0]
    return (quantize, embed_ind, dist_unpacked)

if __name__ == "__main__":
    import jax
    _d = setup_inputs()
    print(jax.jit(kernel)(*tuple(_d.values())))

</pallas_src>

<mosaic_0001>
#map = affine_map<(d0, d1) -> (0, 0)>
#map1 = affine_map<(d0, d1) -> (0)>
module attributes {stable_mosaic.version = 14 : i64} {
  func.func @k(%arg0: i32, %arg1: i32, %arg2: memref<8192x256xf32, #tpu.memory_space<hbm>>, %arg3: memref<9216xi32, #tpu.memory_space<hbm>>, %arg4: memref<9216x256xf32, #tpu.memory_space<hbm>>, %arg5: memref<3x96xi32, #tpu.memory_space<vmem>>, %arg6: memref<288x256xf32, #tpu.memory_space<vmem>>, %arg7: memref<!tpu.dma_semaphore, #tpu.memory_space<semaphore_mem>>) attributes {dimension_semantics = [#tpu.dimension_semantics<core_parallel>, #tpu.dimension_semantics<subcore_parallel>], iteration_bounds = array<i64: 2, 16>, scalar_prefetch = 0 : i64, scratch_operands = 3 : i64, tpu.core_type = #tpu.core_type<sc_vector_subcore>, window_params = [{transform_indices = #map}, {transform_indices = #map1}, {transform_indices = #map}]} {
    %mul3A = arith.constant 2 : i32
    %mul3A_0 = arith.muli %arg1, %mul3A : i32
    %add3A = arith.addi %mul3A_0, %arg0 : i32
    %mul3A_1 = arith.constant 288 : i32
    %mul3A_2 = arith.muli %add3A, %mul3A_1 : i32
    %add3A_3 = arith.constant 0 : i32
    %add3A_4 = arith.addi %mul3A_2, %add3A_3 : i32
    %run_scoped3A = arith.constant 0 : i32
    "tpu.region"() ({
      %run_scoped3A_75 = tpu.sem_alloc : memref<!tpu.dma_semaphore, #tpu.memory_space<semaphore_mem>>
      %dma_start3A_76 = arith.constant 0 : i32
      %dma_start3A_77 = tpu.memref_slice %arg5[%run_scoped3A, %dma_start3A_76] : memref<3x96xi32, #tpu.memory_space<vmem>> -> memref<1x96xi32, #tpu.memory_space<vmem>>
      %dma_start3A_78 = tpu.memref_squeeze %dma_start3A_77 : memref<1x96xi32, #tpu.memory_space<vmem>> -> memref<96xi32, #tpu.memory_space<vmem>>
      %dma_start3A_79 = tpu.memref_slice %arg3[%add3A_4] : memref<9216xi32, #tpu.memory_space<hbm>> -> memref<96xi32, #tpu.memory_space<hbm>>
      %dma_start3A_80 = arith.constant 0 : i32
      %dma_start3A_81 = tpu.memref_slice %arg5[%run_scoped3A, %dma_start3A_80] : memref<3x96xi32, #tpu.memory_space<vmem>> -> memref<1x96xi32, #tpu.memory_space<vmem>>
      %dma_start3A_82 = tpu.memref_squeeze %dma_start3A_81 : memref<1x96xi32, #tpu.memory_space<vmem>> -> memref<96xi32, #tpu.memory_space<vmem>>
      %dma_start3A_83 = tpu.memref_slice %arg3[%add3A_4] : memref<9216xi32, #tpu.memory_space<hbm>> -> memref<96xi32, #tpu.memory_space<hbm>>
      tpu.enqueue_dma source(%dma_start3A_83 : memref<96xi32, #tpu.memory_space<hbm>>) target(%dma_start3A_82 : memref<96xi32, #tpu.memory_space<vmem>>) target_semaphore(%run_scoped3A_75 : memref<!tpu.dma_semaphore, #tpu.memory_space<semaphore_mem>>)
      %dma_wait3A_84 = arith.constant 0 : i32
      %dma_wait3A_85 = tpu.memref_slice %arg5[%run_scoped3A, %dma_wait3A_84] : memref<3x96xi32, #tpu.memory_space<vmem>> -> memref<1x96xi32, #tpu.memory_space<vmem>>
      %dma_wait3A_86 = tpu.memref_squeeze %dma_wait3A_85 : memref<1x96xi32, #tpu.memory_space<vmem>> -> memref<96xi32, #tpu.memory_space<vmem>>
      %dma_wait3A_87 = tpu.memref_slice %arg3[%add3A_4] : memref<9216xi32, #tpu.memory_space<hbm>> -> memref<96xi32, #tpu.memory_space<hbm>>
      %dma_wait3A_88 = arith.constant 0 : i32
      %dma_wait3A_89 = tpu.memref_slice %arg5[%run_scoped3A, %dma_wait3A_88] : memref<3x96xi32, #tpu.memory_space<vmem>> -> memref<1x96xi32, #tpu.memory_space<vmem>>
      %dma_wait3A_90 = tpu.memref_squeeze %dma_wait3A_89 : memref<1x96xi32, #tpu.memory_space<vmem>> -> memref<96xi32, #tpu.memory_space<vmem>>
      %dma_wait3A_91 = tpu.memref_slice %arg3[%add3A_4] : memref<9216xi32, #tpu.memory_space<hbm>> -> memref<96xi32, #tpu.memory_space<hbm>>
      tpu.wait_dma2 semaphore(%run_scoped3A_75 : memref<!tpu.dma_semaphore, #tpu.memory_space<semaphore_mem>>) src(%dma_wait3A_91 : memref<96xi32, #tpu.memory_space<hbm>>) dst(%dma_wait3A_90 : memref<96xi32, #tpu.memory_space<vmem>>)
      tpu.yield
    }) : () -> ()
    %mul3A_5 = arith.constant 288 : i32
    %mul3A_6 = arith.muli %add3A, %mul3A_5 : i32
    %add3A_7 = arith.constant 96 : i32
    %add3A_8 = arith.addi %mul3A_6, %add3A_7 : i32
    %run_scoped3A_9 = arith.constant 1 : i32
    "tpu.region"() ({
      %run_scoped3A_75 = tpu.sem_alloc : memref<!tpu.dma_semaphore, #tpu.memory_space<semaphore_mem>>
      %dma_start3A_76 = arith.constant 0 : i32
      %dma_start3A_77 = tpu.memref_slice %arg5[%run_scoped3A_9, %dma_start3A_76] : memref<3x96xi32, #tpu.memory_space<vmem>> -> memref<1x96xi32, #tpu.memory_space<vmem>>
      %dma_start3A_78 = tpu.memref_squeeze %dma_start3A_77 : memref<1x96xi32, #tpu.memory_space<vmem>> -> memref<96xi32, #tpu.memory_space<vmem>>
      %dma_start3A_79 = tpu.memref_slice %arg3[%add3A_8] : memref<9216xi32, #tpu.memory_space<hbm>> -> memref<96xi32, #tpu.memory_space<hbm>>
      %dma_start3A_80 = arith.constant 0 : i32
      %dma_start3A_81 = tpu.memref_slice %arg5[%run_scoped3A_9, %dma_start3A_80] : memref<3x96xi32, #tpu.memory_space<vmem>> -> memref<1x96xi32, #tpu.memory_space<vmem>>
      %dma_start3A_82 = tpu.memref_squeeze %dma_start3A_81 : memref<1x96xi32, #tpu.memory_space<vmem>> -> memref<96xi32, #tpu.memory_space<vmem>>
      %dma_start3A_83 = tpu.memref_slice %arg3[%add3A_8] : memref<9216xi32, #tpu.memory_space<hbm>> -> memref<96xi32, #tpu.memory_space<hbm>>
      tpu.enqueue_dma source(%dma_start3A_83 : memref<96xi32, #tpu.memory_space<hbm>>) target(%dma_start3A_82 : memref<96xi32, #tpu.memory_space<vmem>>) target_semaphore(%run_scoped3A_75 : memref<!tpu.dma_semaphore, #tpu.memory_space<semaphore_mem>>)
      %dma_wait3A_84 = arith.constant 0 : i32
      %dma_wait3A_85 = tpu.memref_slice %arg5[%run_scoped3A_9, %dma_wait3A_84] : memref<3x96xi32, #tpu.memory_space<vmem>> -> memref<1x96xi32, #tpu.memory_space<vmem>>
      %dma_wait3A_86 = tpu.memref_squeeze %dma_wait3A_85 : memref<1x96xi32, #tpu.memory_space<vmem>> -> memref<96xi32, #tpu.memory_space<vmem>>
      %dma_wait3A_87 = tpu.memref_slice %arg3[%add3A_8] : memref<9216xi32, #tpu.memory_space<hbm>> -> memref<96xi32, #tpu.memory_space<hbm>>
      %dma_wait3A_88 = arith.constant 0 : i32
      %dma_wait3A_89 = tpu.memref_slice %arg5[%run_scoped3A_9, %dma_wait3A_88] : memref<3x96xi32, #tpu.memory_space<vmem>> -> memref<1x96xi32, #tpu.memory_space<vmem>>
      %dma_wait3A_90 = tpu.memref_squeeze %dma_wait3A_89 : memref<1x96xi32, #tpu.memory_space<vmem>> -> memref<96xi32, #tpu.memory_space<vmem>>
      %dma_wait3A_91 = tpu.memref_slice %arg3[%add3A_8] : memref<9216xi32, #tpu.memory_space<hbm>> -> memref<96xi32, #tpu.memory_space<hbm>>
      tpu.wait_dma2 semaphore(%run_scoped3A_75 : memref<!tpu.dma_semaphore, #tpu.memory_space<semaphore_mem>>) src(%dma_wait3A_91 : memref<96xi32, #tpu.memory_space<hbm>>) dst(%dma_wait3A_90 : memref<96xi32, #tpu.memory_space<vmem>>)
      tpu.yield
    }) : () -> ()
    %mul3A_10 = arith.constant 288 : i32
    %mul3A_11 = arith.muli %add3A, %mul3A_10 : i32
    %add3A_12 = arith.constant 192 : i32
    %add3A_13 = arith.addi %mul3A_11, %add3A_12 : i32
    %run_scoped3A_14 = arith.constant 2 : i32
    "tpu.region"() ({
      %run_scoped3A_75 = tpu.sem_alloc : memref<!tpu.dma_semaphore, #tpu.memory_space<semaphore_mem>>
      %dma_start3A_76 = arith.constant 0 : i32
      %dma_start3A_77 = tpu.memref_slice %arg5[%run_scoped3A_14, %dma_start3A_76] : memref<3x96xi32, #tpu.memory_space<vmem>> -> memref<1x96xi32, #tpu.memory_space<vmem>>
      %dma_start3A_78 = tpu.memref_squeeze %dma_start3A_77 : memref<1x96xi32, #tpu.memory_space<vmem>> -> memref<96xi32, #tpu.memory_space<vmem>>
      %dma_start3A_79 = tpu.memref_slice %arg3[%add3A_13] : memref<9216xi32, #tpu.memory_space<hbm>> -> memref<96xi32, #tpu.memory_space<hbm>>
      %dma_start3A_80 = arith.constant 0 : i32
      %dma_start3A_81 = tpu.memref_slice %arg5[%run_scoped3A_14, %dma_start3A_80] : memref<3x96xi32, #tpu.memory_space<vmem>> -> memref<1x96xi32, #tpu.memory_space<vmem>>
      %dma_start3A_82 = tpu.memref_squeeze %dma_start3A_81 : memref<1x96xi32, #tpu.memory_space<vmem>> -> memref<96xi32, #tpu.memory_space<vmem>>
      %dma_start3A_83 = tpu.memref_slice %arg3[%add3A_13] : memref<9216xi32, #tpu.memory_space<hbm>> -> memref<96xi32, #tpu.memory_space<hbm>>
      tpu.enqueue_dma source(%dma_start3A_83 : memref<96xi32, #tpu.memory_space<hbm>>) target(%dma_start3A_82 : memref<96xi32, #tpu.memory_space<vmem>>) target_semaphore(%run_scoped3A_75 : memref<!tpu.dma_semaphore, #tpu.memory_space<semaphore_mem>>)
      %dma_wait3A_84 = arith.constant 0 : i32
      %dma_wait3A_85 = tpu.memref_slice %arg5[%run_scoped3A_14, %dma_wait3A_84] : memref<3x96xi32, #tpu.memory_space<vmem>> -> memref<1x96xi32, #tpu.memory_space<vmem>>
      %dma_wait3A_86 = tpu.memref_squeeze %dma_wait3A_85 : memref<1x96xi32, #tpu.memory_space<vmem>> -> memref<96xi32, #tpu.memory_space<vmem>>
      %dma_wait3A_87 = tpu.memref_slice %arg3[%add3A_13] : memref<9216xi32, #tpu.memory_space<hbm>> -> memref<96xi32, #tpu.memory_space<hbm>>
      %dma_wait3A_88 = arith.constant 0 : i32
      %dma_wait3A_89 = tpu.memref_slice %arg5[%run_scoped3A_14, %dma_wait3A_88] : memref<3x96xi32, #tpu.memory_space<vmem>> -> memref<1x96xi32, #tpu.memory_space<vmem>>
      %dma_wait3A_90 = tpu.memref_squeeze %dma_wait3A_89 : memref<1x96xi32, #tpu.memory_space<vmem>> -> memref<96xi32, #tpu.memory_space<vmem>>
      %dma_wait3A_91 = tpu.memref_slice %arg3[%add3A_13] : memref<9216xi32, #tpu.memory_space<hbm>> -> memref<96xi32, #tpu.memory_space<hbm>>
      tpu.wait_dma2 semaphore(%run_scoped3A_75 : memref<!tpu.dma_semaphore, #tpu.memory_space<semaphore_mem>>) src(%dma_wait3A_91 : memref<96xi32, #tpu.memory_space<hbm>>) dst(%dma_wait3A_90 : memref<96xi32, #tpu.memory_space<vmem>>)
      tpu.yield
    }) : () -> ()
    %dma_start3A = arith.constant 0 : i32
    %dma_start3A_15 = arith.constant 0 : i32
    %dma_start3A_16 = arith.constant 0 : i32
    %dma_start3A_17 = tpu.memref_slice %arg6[%dma_start3A_15, %dma_start3A_16] : memref<288x256xf32, #tpu.memory_space<vmem>> -> memref<96x256xf32, #tpu.memory_space<vmem>>
    %dma_start3A_18 = arith.constant 0 : i32
    %dma_start3A_19 = tpu.memref_slice %arg5[%dma_start3A, %dma_start3A_18] : memref<3x96xi32, #tpu.memory_space<vmem>> -> memref<1x96xi32, #tpu.memory_space<vmem>>
    %dma_start3A_20 = tpu.memref_squeeze %dma_start3A_19 : memref<1x96xi32, #tpu.memory_space<vmem>> -> memref<96xi32, #tpu.memory_space<vmem>>
    %dma_start3A_21 = arith.constant 0 : i32
    %dma_start3A_22 = arith.constant 0 : i32
    %dma_start3A_23 = tpu.memref_slice %arg2[%dma_start3A_21, %dma_start3A_22] : memref<8192x256xf32, #tpu.memory_space<hbm>> -> memref<8192x256xf32, #tpu.memory_space<hbm>>
    tpu.enqueue_indirect_dma source(%dma_start3A_23 : memref<8192x256xf32, #tpu.memory_space<hbm>>) target(%dma_start3A_17 : memref<96x256xf32, #tpu.memory_space<vmem>>) offsets(%dma_start3A_20 : memref<96xi32, #tpu.memory_space<vmem>>) semaphore(%arg7 : memref<!tpu.dma_semaphore, #tpu.memory_space<semaphore_mem>>)
    %dma_start3A_24 = arith.constant 1 : i32
    %dma_start3A_25 = arith.constant 96 : i32
    %dma_start3A_26 = arith.constant 0 : i32
    %dma_start3A_27 = tpu.memref_slice %arg6[%dma_start3A_25, %dma_start3A_26] : memref<288x256xf32, #tpu.memory_space<vmem>> -> memref<96x256xf32, #tpu.memory_space<vmem>>
    %dma_start3A_28 = arith.constant 0 : i32
    %dma_start3A_29 = tpu.memref_slice %arg5[%dma_start3A_24, %dma_start3A_28] : memref<3x96xi32, #tpu.memory_space<vmem>> -> memref<1x96xi32, #tpu.memory_space<vmem>>
    %dma_start3A_30 = tpu.memref_squeeze %dma_start3A_29 : memref<1x96xi32, #tpu.memory_space<vmem>> -> memref<96xi32, #tpu.memory_space<vmem>>
    %dma_start3A_31 = arith.constant 0 : i32
    %dma_start3A_32 = arith.constant 0 : i32
    %dma_start3A_33 = tpu.memref_slice %arg2[%dma_start3A_31, %dma_start3A_32] : memref<8192x256xf32, #tpu.memory_space<hbm>> -> memref<8192x256xf32, #tpu.memory_space<hbm>>
    tpu.enqueue_indirect_dma source(%dma_start3A_33 : memref<8192x256xf32, #tpu.memory_space<hbm>>) target(%dma_start3A_27 : memref<96x256xf32, #tpu.memory_space<vmem>>) offsets(%dma_start3A_30 : memref<96xi32, #tpu.memory_space<vmem>>) semaphore(%arg7 : memref<!tpu.dma_semaphore, #tpu.memory_space<semaphore_mem>>)
    %dma_start3A_34 = arith.constant 2 : i32
    %dma_start3A_35 = arith.constant 192 : i32
    %dma_start3A_36 = arith.constant 0 : i32
    %dma_start3A_37 = tpu.memref_slice %arg6[%dma_start3A_35, %dma_start3A_36] : memref<288x256xf32, #tpu.memory_space<vmem>> -> memref<96x256xf32, #tpu.memory_space<vmem>>
    %dma_start3A_38 = arith.constant 0 : i32
    %dma_start3A_39 = tpu.memref_slice %arg5[%dma_start3A_34, %dma_start3A_38] : memref<3x96xi32, #tpu.memory_space<vmem>> -> memref<1x96xi32, #tpu.memory_space<vmem>>
    %dma_start3A_40 = tpu.memref_squeeze %dma_start3A_39 : memref<1x96xi32, #tpu.memory_space<vmem>> -> memref<96xi32, #tpu.memory_space<vmem>>
    %dma_start3A_41 = arith.constant 0 : i32
    %dma_start3A_42 = arith.constant 0 : i32
    %dma_start3A_43 = tpu.memref_slice %arg2[%dma_start3A_41, %dma_start3A_42] : memref<8192x256xf32, #tpu.memory_space<hbm>> -> memref<8192x256xf32, #tpu.memory_space<hbm>>
    tpu.enqueue_indirect_dma source(%dma_start3A_43 : memref<8192x256xf32, #tpu.memory_space<hbm>>) target(%dma_start3A_37 : memref<96x256xf32, #tpu.memory_space<vmem>>) offsets(%dma_start3A_40 : memref<96xi32, #tpu.memory_space<vmem>>) semaphore(%arg7 : memref<!tpu.dma_semaphore, #tpu.memory_space<semaphore_mem>>)
    %dma_wait3A = arith.constant 0 : i32
    %dma_wait3A_44 = arith.constant 0 : i32
    %dma_wait3A_45 = arith.constant 0 : i32
    %dma_wait3A_46 = tpu.memref_slice %arg6[%dma_wait3A_44, %dma_wait3A_45] : memref<288x256xf32, #tpu.memory_space<vmem>> -> memref<96x256xf32, #tpu.memory_space<vmem>>
    %dma_wait3A_47 = arith.constant 0 : i32
    %dma_wait3A_48 = tpu.memref_slice %arg5[%dma_wait3A, %dma_wait3A_47] : memref<3x96xi32, #tpu.memory_space<vmem>> -> memref<1x96xi32, #tpu.memory_space<vmem>>
    %dma_wait3A_49 = tpu.memref_squeeze %dma_wait3A_48 : memref<1x96xi32, #tpu.memory_space<vmem>> -> memref<96xi32, #tpu.memory_space<vmem>>
    %dma_wait3A_50 = arith.constant 0 : i32
    %dma_wait3A_51 = arith.constant 0 : i32
    %dma_wait3A_52 = tpu.memref_slice %arg2[%dma_wait3A_50, %dma_wait3A_51] : memref<8192x256xf32, #tpu.memory_space<hbm>> -> memref<8192x256xf32, #tpu.memory_space<hbm>>
    tpu.wait_indirect_dma semaphore(%arg7 : memref<!tpu.dma_semaphore, #tpu.memory_space<semaphore_mem>>) src(%dma_wait3A_52 : memref<8192x256xf32, #tpu.memory_space<hbm>>) dst(%dma_wait3A_46 : memref<96x256xf32, #tpu.memory_space<vmem>>)
    %dma_wait3A_53 = arith.constant 1 : i32
    %dma_wait3A_54 = arith.constant 96 : i32
    %dma_wait3A_55 = arith.constant 0 : i32
    %dma_wait3A_56 = tpu.memref_slice %arg6[%dma_wait3A_54, %dma_wait3A_55] : memref<288x256xf32, #tpu.memory_space<vmem>> -> memref<96x256xf32, #tpu.memory_space<vmem>>
    %dma_wait3A_57 = arith.constant 0 : i32
    %dma_wait3A_58 = tpu.memref_slice %arg5[%dma_wait3A_53, %dma_wait3A_57] : memref<3x96xi32, #tpu.memory_space<vmem>> -> memref<1x96xi32, #tpu.memory_space<vmem>>
    %dma_wait3A_59 = tpu.memref_squeeze %dma_wait3A_58 : memref<1x96xi32, #tpu.memory_space<vmem>> -> memref<96xi32, #tpu.memory_space<vmem>>
    %dma_wait3A_60 = arith.constant 0 : i32
    %dma_wait3A_61 = arith.constant 0 : i32
    %dma_wait3A_62 = tpu.memref_slice %arg2[%dma_wait3A_60, %dma_wait3A_61] : memref<8192x256xf32, #tpu.memory_space<hbm>> -> memref<8192x256xf32, #tpu.memory_space<hbm>>
    tpu.wait_indirect_dma semaphore(%arg7 : memref<!tpu.dma_semaphore, #tpu.memory_space<semaphore_mem>>) src(%dma_wait3A_62 : memref<8192x256xf32, #tpu.memory_space<hbm>>) dst(%dma_wait3A_56 : memref<96x256xf32, #tpu.memory_space<vmem>>)
    %dma_wait3A_63 = arith.constant 2 : i32
    %dma_wait3A_64 = arith.constant 192 : i32
    %dma_wait3A_65 = arith.constant 0 : i32
    %dma_wait3A_66 = tpu.memref_slice %arg6[%dma_wait3A_64, %dma_wait3A_65] : memref<288x256xf32, #tpu.memory_space<vmem>> -> memref<96x256xf32, #tpu.memory_space<vmem>>
    %dma_wait3A_67 = arith.constant 0 : i32
    %dma_wait3A_68 = tpu.memref_slice %arg5[%dma_wait3A_63, %dma_wait3A_67] : memref<3x96xi32, #tpu.memory_space<vmem>> -> memref<1x96xi32, #tpu.memory_space<vmem>>
    %dma_wait3A_69 = tpu.memref_squeeze %dma_wait3A_68 : memref<1x96xi32, #tpu.memory_space<vmem>> -> memref<96xi32, #tpu.memory_space<vmem>>
    %dma_wait3A_70 = arith.constant 0 : i32
    %dma_wait3A_71 = arith.constant 0 : i32
    %dma_wait3A_72 = tpu.memref_slice %arg2[%dma_wait3A_70, %dma_wait3A_71] : memref<8192x256xf32, #tpu.memory_space<hbm>> -> memref<8192x256xf32, #tpu.memory_space<hbm>>
    tpu.wait_indirect_dma semaphore(%arg7 : memref<!tpu.dma_semaphore, #tpu.memory_space<semaphore_mem>>) src(%dma_wait3A_72 : memref<8192x256xf32, #tpu.memory_space<hbm>>) dst(%dma_wait3A_66 : memref<96x256xf32, #tpu.memory_space<vmem>>)
    %mul3A_73 = arith.constant 288 : i32
    %mul3A_74 = arith.muli %add3A, %mul3A_73 : i32
    "tpu.region"() ({
      %run_scoped3A_75 = tpu.sem_alloc : memref<!tpu.dma_semaphore, #tpu.memory_space<semaphore_mem>>
      %dma_start3A_76 = arith.constant 0 : i32
      %dma_start3A_77 = tpu.memref_slice %arg4[%mul3A_74, %dma_start3A_76] : memref<9216x256xf32, #tpu.memory_space<hbm>> -> memref<288x256xf32, #tpu.memory_space<hbm>>
      %dma_start3A_78 = arith.constant 0 : i32
      %dma_start3A_79 = tpu.memref_slice %arg4[%mul3A_74, %dma_start3A_78] : memref<9216x256xf32, #tpu.memory_space<hbm>> -> memref<288x256xf32, #tpu.memory_space<hbm>>
      tpu.enqueue_dma source(%arg6 : memref<288x256xf32, #tpu.memory_space<vmem>>) target(%dma_start3A_79 : memref<288x256xf32, #tpu.memory_space<hbm>>) target_semaphore(%run_scoped3A_75 : memref<!tpu.dma_semaphore, #tpu.memory_space<semaphore_mem>>)
      %dma_wait3A_80 = arith.constant 0 : i32
      %dma_wait3A_81 = tpu.memref_slice %arg4[%mul3A_74, %dma_wait3A_80] : memref<9216x256xf32, #tpu.memory_space<hbm>> -> memref<288x256xf32, #tpu.memory_space<hbm>>
      %dma_wait3A_82 = arith.constant 0 : i32
      %dma_wait3A_83 = tpu.memref_slice %arg4[%mul3A_74, %dma_wait3A_82] : memref<9216x256xf32, #tpu.memory_space<hbm>> -> memref<288x256xf32, #tpu.memory_space<hbm>>
      tpu.wait_dma2 semaphore(%run_scoped3A_75 : memref<!tpu.dma_semaphore, #tpu.memory_space<semaphore_mem>>) src(%arg6 : memref<288x256xf32, #tpu.memory_space<vmem>>) dst(%dma_wait3A_83 : memref<288x256xf32, #tpu.memory_space<hbm>>)
      tpu.yield
    }) : () -> ()
    return
  }
}

module attributes {stable_mosaic.version = 14 : i64} {
  func.func @_mm_argmax_body(%arg0: i32, %arg1: memref<256x256xf32, #tpu.memory_space<vmem>>, %arg2: memref<8192x256xf32, #tpu.memory_space<vmem>>, %arg3: memref<256x8192xf32, #tpu.memory_space<vmem>>, %arg4: memref<256xi32, #tpu.memory_space<vmem>>) attributes {dimension_semantics = [#tpu.dimension_semantics<arbitrary>], iteration_bounds = array<i64: 36>, scalar_prefetch = 0 : i64, scratch_operands = 0 : i64, tpu.core_type = #tpu.core_type<tc>, window_params = [{transform_indices = @transform_0, window_bounds = array<i64: 256, 256>}, {pipeline_mode = #tpu.pipeline_mode<synchronous>, transform_indices = @transform_1, window_bounds = array<i64: 8192, 256>}, {transform_indices = @transform_2, window_bounds = array<i64: 256, 8192>}, {transform_indices = @transform_3, window_bounds = array<i64: 256>}]} {
    %iota3A = tpu.iota {dimensions = array<i32: 1>} : vector<256x128xi32>
    %broadcast_in_dim3A = arith.constant 0xFF800000 : f32
    %broadcast_in_dim3A_0 = vector.broadcast %broadcast_in_dim3A : f32 to vector<256x128xf32>
    %broadcast_in_dim3A_1 = arith.constant 0 : i32
    %broadcast_in_dim3A_2 = vector.broadcast %broadcast_in_dim3A_1 : i32 to vector<256x128xi32>
    %get3A = arith.constant 0 : index
    %get3A_3 = arith.constant 0 : index
    %get3A_4 = vector.load %arg1[%get3A, %get3A_3] : memref<256x256xf32, #tpu.memory_space<vmem>>, vector<256x256xf32>
    %get3A_5 = arith.constant 0 : index
    %get3A_6 = arith.constant 0 : index
    %get3A_7 = vector.load %arg2[%get3A_5, %get3A_6] : memref<8192x256xf32, #tpu.memory_space<vmem>>, vector<4096x256xf32>
    %dot_general3A = arith.constant dense<0.000000e+00> : vector<256x4096xf32>
    %dot_general3A_8 = tpu.matmul %get3A_4, %get3A_7, %dot_general3A {dimension_numbers = #tpu.dot_dimension_numbers<[1], [1], [0], [0], [0, 0, 1, 0], [], []>, transpose_lhs_hint = false} : vector<256x256xf32>, vector<4096x256xf32>, vector<256x4096xf32> -> vector<256x4096xf32>
    %swap3A = arith.constant 0 : index
    %swap3A_9 = arith.constant 0 : index
    %swap3A_10 = vector.load %arg3[%swap3A, %swap3A_9] : memref<256x8192xf32, #tpu.memory_space<vmem>>, vector<256x4096xf32>
    tpu.vector_store %arg3[%swap3A, %swap3A_9], %dot_general3A_8 {strides = array<i32>} : memref<256x8192xf32, #tpu.memory_space<vmem>>, vector<256x4096xf32>,
    %slice3A = vector.extract_strided_slice %dot_general3A_8 {offsets = [0, 0], sizes = [256, 128], strides = [1, 1]} : vector<256x4096xf32> to vector<256x128xf32>
    %gt3A = arith.cmpf ogt, %slice3A, %broadcast_in_dim3A_0 : vector<256x128xf32>
    %max3A = arith.maximumf %broadcast_in_dim3A_0, %slice3A : vector<256x128xf32>
    %add3A = arith.constant 0 : i32
    %add3A_11 = vector.broadcast %add3A : i32 to vector<256x128xi32>
    %add3A_12 = arith.addi %iota3A, %add3A_11 : vector<256x128xi32>
    %select_n3A = arith.select %gt3A, %add3A_12, %broadcast_in_dim3A_2 : vector<256x128xi1>, vector<256x128xi32>
    %slice3A_13 = vector.extract_strided_slice %dot_general3A_8 {offsets = [0, 128], sizes = [256, 128], strides = [1, 1]} : vector<256x4096xf32> to vector<256x128xf32>
    %gt3A_14 = arith.cmpf ogt, %slice3A_13, %max3A : vector<256x128xf32>
    %max3A_15 = arith.maximumf %max3A, %slice3A_13 : vector<256x128xf32>
    %add3A_16 = arith.constant 128 : i32
    %add3A_17 = vector.broadcast %add3A_16 : i32 to vector<256x128xi32>
    %add3A_18 = arith.addi %iota3A, %add3A_17 : vector<256x128xi32>
    %select_n3A_19 = arith.select %gt3A_14, %add3A_18, %select_n3A : vector<256x128xi1>, vector<256x128xi32>
    %slice3A_20 = vector.extract_strided_slice %dot_general3A_8 {offsets = [0, 256], sizes = [256, 128], strides = [1, 1]} : vector<256x4096xf32> to vector<256x128xf32>
    %gt3A_21 = arith.cmpf ogt, %slice3A_20, %max3A_15 : vector<256x128xf32>
    %max3A_22 = arith.maximumf %max3A_15, %slice3A_20 : vector<256x128xf32>
    %add3A_23 = arith.constant 256 : i32
    %add3A_24 = vector.broadcast %add3A_23 : i32 to vector<256x128xi32>
    %add3A_25 = arith.addi %iota3A, %add3A_24 : vector<256x128xi32>
    %select_n3A_26 = arith.select %gt3A_21, %add3A_25, %select_n3A_19 : vector<256x128xi1>, vector<256x128xi32>
    %slice3A_27 = vector.extract_strided_slice %dot_general3A_8 {offsets = [0, 384], sizes = [256, 128], strides = [1, 1]} : vector<256x4096xf32> to vector<256x128xf32>
    %gt3A_28 = arith.cmpf ogt, %slice3A_27, %max3A_22 : vector<256x128xf32>
    %max3A_29 = arith.maximumf %max3A_22, %slice3A_27 : vector<256x128xf32>
    %add3A_30 = arith.constant 384 : i32
    %add3A_31 = vector.broadcast %add3A_30 : i32 to vector<256x128xi32>
    %add3A_32 = arith.addi %iota3A, %add3A_31 : vector<256x128xi32>
    %select_n3A_33 = arith.select %gt3A_28, %add3A_32, %select_n3A_26 : vector<256x128xi1>, vector<256x128xi32>
    %slice3A_34 = vector.extract_strided_slice %dot_general3A_8 {offsets = [0, 512], sizes = [256, 128], strides = [1, 1]} : vector<256x4096xf32> to vector<256x128xf32>
    %gt3A_35 = arith.cmpf ogt, %slice3A_34, %max3A_29 : vector<256x128xf32>
    %max3A_36 = arith.maximumf %max3A_29, %slice3A_34 : vector<256x128xf32>
    %add3A_37 = arith.constant 512 : i32
    %add3A_38 = vector.broadcast %add3A_37 : i32 to vector<256x128xi32>
    %add3A_39 = arith.addi %iota3A, %add3A_38 : vector<256x128xi32>
    %select_n3A_40 = arith.select %gt3A_35, %add3A_39, %select_n3A_33 : vector<256x128xi1>, vector<256x128xi32>
    %slice3A_41 = vector.extract_strided_slice %dot_general3A_8 {offsets = [0, 640], sizes = [256, 128], strides = [1, 1]} : vector<256x4096xf32> to vector<256x128xf32>
    %gt3A_42 = arith.cmpf ogt, %slice3A_41, %max3A_36 : vector<256x128xf32>
    %max3A_43 = arith.maximumf %max3A_36, %slice3A_41 : vector<256x128xf32>
    %add3A_44 = arith.constant 640 : i32
    %add3A_45 = vector.broadcast %add3A_44 : i32 to vector<256x128xi32>
    %add3A_46 = arith.addi %iota3A, %add3A_45 : vector<256x128xi32>
    %select_n3A_47 = arith.select %gt3A_42, %add3A_46, %select_n3A_40 : vector<256x128xi1>, vector<256x128xi32>
    %slice3A_48 = vector.extract_strided_slice %dot_general3A_8 {offsets = [0, 768], sizes = [256, 128], strides = [1, 1]} : vector<256x4096xf32> to vector<256x128xf32>
    %gt3A_49 = arith.cmpf ogt, %slice3A_48, %max3A_43 : vector<256x128xf32>
    %max3A_50 = arith.maximumf %max3A_43, %slice3A_48 : vector<256x128xf32>
    %add3A_51 = arith.constant 768 : i32
    %add3A_52 = vector.broadcast %add3A_51 : i32 to vector<256x128xi32>
    %add3A_53 = arith.addi %iota3A, %add3A_52 : vector<256x128xi32>
    %select_n3A_54 = arith.select %gt3A_49, %add3A_53, %select_n3A_47 : vector<256x128xi1>, vector<256x128xi32>
    %slice3A_55 = vector.extract_strided_slice %dot_general3A_8 {offsets = [0, 896], sizes = [256, 128], strides = [1, 1]} : vector<256x4096xf32> to vector<256x128xf32>
    %gt3A_56 = arith.cmpf ogt, %slice3A_55, %max3A_50 : vector<256x128xf32>
    %max3A_57 = arith.maximumf %max3A_50, %slice3A_55 : vector<256x128xf32>
    %add3A_58 = arith.constant 896 : i32
    %add3A_59 = vector.broadcast %add3A_58 : i32 to vector<256x128xi32>
    %add3A_60 = arith.addi %iota3A, %add3A_59 : vector<256x128xi32>
    %select_n3A_61 = arith.select %gt3A_56, %add3A_60, %select_n3A_54 : vector<256x128xi1>, vector<256x128xi32>
    %slice3A_62 = vector.extract_strided_slice %dot_general3A_8 {offsets = [0, 1024], sizes = [256, 128], strides = [1, 1]} : vector<256x4096xf32> to vector<256x128xf32>
    %gt3A_63 = arith.cmpf ogt, %slice3A_62, %max3A_57 : vector<256x128xf32>
    %max3A_64 = arith.maximumf %max3A_57, %slice3A_62 : vector<256x128xf32>
    %add3A_65 = arith.constant 1024 : i32
    %add3A_66 = vector.broadcast %add3A_65 : i32 to vector<256x128xi32>
    %add3A_67 = arith.addi %iota3A, %add3A_66 : vector<256x128xi32>
    %select_n3A_68 = arith.select %gt3A_63, %add3A_67, %select_n3A_61 : vector<256x128xi1>, vector<256x128xi32>
    %slice3A_69 = vector.extract_strided_slice %dot_general3A_8 {offsets = [0, 1152], sizes = [256, 128], strides = [1, 1]} : vector<256x4096xf32> to vector<256x128xf32>
    %gt3A_70 = arith.cmpf ogt, %slice3A_69, %max3A_64 : vector<256x128xf32>
    %max3A_71 = arith.maximumf %max3A_64, %slice3A_69 : vector<256x128xf32>
    %add3A_72 = arith.constant 1152 : i32
    %add3A_73 = vector.broadcast %add3A_72 : i32 to vector<256x128xi32>
    %add3A_74 = arith.addi %iota3A, %add3A_73 : vector<256x128xi32>
    %select_n3A_75 = arith.select %gt3A_70, %add3A_74, %select_n3A_68 : vector<256x128xi1>, vector<256x128xi32>
    %slice3A_76 = vector.extract_strided_slice %dot_general3A_8 {offsets = [0, 1280], sizes = [256, 128], strides = [1, 1]} : vector<256x4096xf32> to vector<256x128xf32>
    %gt3A_77 = arith.cmpf ogt, %slice3A_76, %max3A_71 : vector<256x128xf32>
    %max3A_78 = arith.maximumf %max3A_71, %slice3A_76 : vector<256x128xf32>
    %add3A_79 = arith.constant 1280 : i32
    %add3A_80 = vector.broadcast %add3A_79 : i32 to vector<256x128xi32>
    %add3A_81 = arith.addi %iota3A, %add3A_80 : vector<256x128xi32>
    %select_n3A_82 = arith.select %gt3A_77, %add3A_81, %select_n3A_75 : vector<256x128xi1>, vector<256x128xi32>
    %slice3A_83 = vector.extract_strided_slice %dot_general3A_8 {offsets = [0, 1408], sizes = [256, 128], strides = [1, 1]} : vector<256x4096xf32> to vector<256x128xf32>
    %gt3A_84 = arith.cmpf ogt, %slice3A_83, %max3A_78 : vector<256x128xf32>
    %max3A_85 = arith.maximumf %max3A_78, %slice3A_83 : vector<256x128xf32>
    %add3A_86 = arith.constant 1408 : i32
    %add3A_87 = vector.broadcast %add3A_86 : i32 to vector<256x128xi32>
    %add3A_88 = arith.addi %iota3A, %add3A_87 : vector<256x128xi32>
    %select_n3A_89 = arith.select %gt3A_84, %add3A_88, %select_n3A_82 : vector<256x128xi1>, vector<256x128xi32>
    %slice3A_90 = vector.extract_strided_slice %dot_general3A_8 {offsets = [0, 1536], sizes = [256, 128], strides = [1, 1]} : vector<256x4096xf32> to vector<256x128xf32>
    %gt3A_91 = arith.cmpf ogt, %slice3A_90, %max3A_85 : vector<256x128xf32>
    %max3A_92 = arith.maximumf %max3A_85, %slice3A_90 : vector<256x128xf32>
    %add3A_93 = arith.constant 1536 : i32
    %add3A_94 = vector.broadcast %add3A_93 : i32 to vector<256x128xi32>
    %add3A_95 = arith.addi %iota3A, %add3A_94 : vector<256x128xi32>
    %select_n3A_96 = arith.select %gt3A_91, %add3A_95, %select_n3A_89 : vector<256x128xi1>, vector<256x128xi32>
    %slice3A_97 = vector.extract_strided_slice %dot_general3A_8 {offsets = [0, 1664], sizes = [256, 128], strides = [1, 1]} : vector<256x4096xf32> to vector<256x128xf32>
    %gt3A_98 = arith.cmpf ogt, %slice3A_97, %max3A_92 : vector<256x128xf32>
    %max3A_99 = arith.maximumf %max3A_92, %slice3A_97 : vector<256x128xf32>
    %add3A_100 = arith.constant 1664 : i32
    %add3A_101 = vector.broadcast %add3A_100 : i32 to vector<256x128xi32>
    %add3A_102 = arith.addi %iota3A, %add3A_101 : vector<256x128xi32>
    %select_n3A_103 = arith.select %gt3A_98, %add3A_102, %select_n3A_96 : vector<256x128xi1>, vector<256x128xi32>
    %slice3A_104 = vector.extract_strided_slice %dot_general3A_8 {offsets = [0, 1792], sizes = [256, 128], strides = [1, 1]} : vector<256x4096xf32> to vector<256x128xf32>
    %gt3A_105 = arith.cmpf ogt, %slice3A_104, %max3A_99 : vector<256x128xf32>
    %max3A_106 = arith.maximumf %max3A_99, %slice3A_104 : vector<256x128xf32>
    %add3A_107 = arith.constant 1792 : i32
    %add3A_108 = vector.broadcast %add3A_107 : i32 to vector<256x128xi32>
    %add3A_109 = arith.addi %iota3A, %add3A_108 : vector<256x128xi32>
    %select_n3A_110 = arith.select %gt3A_105, %add3A_109, %select_n3A_103 : vector<256x128xi1>, vector<256x128xi32>
    %slice3A_111 = vector.extract_strided_slice %dot_general3A_8 {offsets = [0, 1920], sizes = [256, 128], strides = [1, 1]} : vector<256x4096xf32> to vector<256x128xf32>
    %gt3A_112 = arith.cmpf ogt, %slice3A_111, %max3A_106 : vector<256x128xf32>
    %max3A_113 = arith.maximumf %max3A_106, %slice3A_111 : vector<256x128xf32>
    %add3A_114 = arith.constant 1920 : i32
    %add3A_115 = vector.broadcast %add3A_114 : i32 to vector<256x128xi32>
    %add3A_116 = arith.addi %iota3A, %add3A_115 : vector<256x128xi32>
    %select_n3A_117 = arith.select %gt3A_112, %add3A_116, %select_n3A_110 : vector<256x128xi1>, vector<256x128xi32>
    %slice3A_118 = vector.extract_strided_slice %dot_general3A_8 {offsets = [0, 2048], sizes = [256, 128], strides = [1, 1]} : vector<256x4096xf32> to vector<256x128xf32>
    %gt3A_119 = arith.cmpf ogt, %slice3A_118, %max3A_113 : vector<256x128xf32>
    %max3A_120 = arith.maximumf %max3A_113, %slice3A_118 : vector<256x128xf32>
    %add3A_121 = arith.constant 2048 : i32
    %add3A_122 = vector.broadcast %add3A_121 : i32 to vector<256x128xi32>
    %add3A_123 = arith.addi %iota3A, %add3A_122 : vector<256x128xi32>
    %select_n3A_124 = arith.select %gt3A_119, %add3A_123, %select_n3A_117 : vector<256x128xi1>, vector<256x128xi32>
    %slice3A_125 = vector.extract_strided_slice %dot_general3A_8 {offsets = [0, 2176], sizes = [256, 128], strides = [1, 1]} : vector<256x4096xf32> to vector<256x128xf32>
    %gt3A_126 = arith.cmpf ogt, %slice3A_125, %max3A_120 : vector<256x128xf32>
    %max3A_127 = arith.maximumf %max3A_120, %slice3A_125 : vector<256x128xf32>
    %add3A_128 = arith.constant 2176 : i32
    %add3A_129 = vector.broadcast %add3A_128 : i32 to vector<256x128xi32>
    %add3A_130 = arith.addi %iota3A, %add3A_129 : vector<256x128xi32>
    %select_n3A_131 = arith.select %gt3A_126, %add3A_130, %select_n3A_124 : vector<256x128xi1>, vector<256x128xi32>
    %slice3A_132 = vector.extract_strided_slice %dot_general3A_8 {offsets = [0, 2304], sizes = [256, 128], strides = [1, 1]} : vector<256x4096xf32> to vector<256x128xf32>
    %gt3A_133 = arith.cmpf ogt, %slice3A_132, %max3A_127 : vector<256x128xf32>
    %max3A_134 = arith.maximumf %max3A_127, %slice3A_132 : vector<256x128xf32>
    %add3A_135 = arith.constant 2304 : i32
    %add3A_136 = vector.broadcast %add3A_135 : i32 to vector<256x128xi32>
    %add3A_137 = arith.addi %iota3A, %add3A_136 : vector<256x128xi32>
    %select_n3A_138 = arith.select %gt3A_133, %add3A_137, %select_n3A_131 : vector<256x128xi1>, vector<256x128xi32>
    %slice3A_139 = vector.extract_strided_slice %dot_general3A_8 {offsets = [0, 2432], sizes = [256, 128], strides = [1, 1]} : vector<256x4096xf32> to vector<256x128xf32>
    %gt3A_140 = arith.cmpf ogt, %slice3A_139, %max3A_134 : vector<256x128xf32>
    %max3A_141 = arith.maximumf %max3A_134, %slice3A_139 : vector<256x128xf32>
    %add3A_142 = arith.constant 2432 : i32
    %add3A_143 = vector.broadcast %add3A_142 : i32 to vector<256x128xi32>
    %add3A_144 = arith.addi %iota3A, %add3A_143 : vector<256x128xi32>
    %select_n3A_145 = arith.select %gt3A_140, %add3A_144, %select_n3A_138 : vector<256x128xi1>, vector<256x128xi32>
    %slice3A_146 = vector.extract_strided_slice %dot_general3A_8 {offsets = [0, 2560], sizes = [256, 128], strides = [1, 1]} : vector<256x4096xf32> to vector<256x128xf32>
    %gt3A_147 = arith.cmpf ogt, %slice3A_146, %max3A_141 : vector<256x128xf32>
    %max3A_148 = arith.maximumf %max3A_141, %slice3A_146 : vector<256x128xf32>
    %add3A_149 = arith.constant 2560 : i32
    %add3A_150 = vector.broadcast %add3A_149 : i32 to vector<256x128xi32>
    %add3A_151 = arith.addi %iota3A, %add3A_150 : vector<256x128xi32>
    %select_n3A_152 = arith.select %gt3A_147, %add3A_151, %select_n3A_145 : vector<256x128xi1>, vector<256x128xi32>
    %slice3A_153 = vector.extract_strided_slice %dot_general3A_8 {offsets = [0, 2688], sizes = [256, 128], strides = [1, 1]} : vector<256x4096xf32> to vector<256x128xf32>
    %gt3A_154 = arith.cmpf ogt, %slice3A_153, %max3A_148 : vector<256x128xf32>
    %max3A_155 = arith.maximumf %max3A_148, %slice3A_153 : vector<256x128xf32>
    %add3A_156 = arith.constant 2688 : i32
    %add3A_157 = vector.broadcast %add3A_156 : i32 to vector<256x128xi32>
    %add3A_158 = arith.addi %iota3A, %add3A_157 : vector<256x128xi32>
    %select_n3A_159 = arith.select %gt3A_154, %add3A_158, %select_n3A_152 : vector<256x128xi1>, vector<256x128xi32>
    %slice3A_160 = vector.extract_strided_slice %dot_general3A_8 {offsets = [0, 2816], sizes = [256, 128], strides = [1, 1]} : vector<256x4096xf32> to vector<256x128xf32>
    %gt3A_161 = arith.cmpf ogt, %slice3A_160, %max3A_155 : vector<256x128xf32>
    %max3A_162 = arith.maximumf %max3A_155, %slice3A_160 : vector<256x128xf32>
    %add3A_163 = arith.constant 2816 : i32
    %add3A_164 = vector.broadcast %add3A_163 : i32 to vector<256x128xi32>
    %add3A_165 = arith.addi %iota3A, %add3A_164 : vector<256x128xi32>
    %select_n3A_166 = arith.select %gt3A_161, %add3A_165, %select_n3A_159 : vector<256x128xi1>, vector<256x128xi32>
    %slice3A_167 = vector.extract_strided_slice %dot_general3A_8 {offsets = [0, 2944], sizes = [256, 128], strides = [1, 1]} : vector<256x4096xf32> to vector<256x128xf32>
    %gt3A_168 = arith.cmpf ogt, %slice3A_167, %max3A_162 : vector<256x128xf32>
    %max3A_169 = arith.maximumf %max3A_162, %slice3A_167 : vector<256x128xf32>
    %add3A_170 = arith.constant 2944 : i32
    %add3A_171 = vector.broadcast %add3A_170 : i32 to vector<256x128xi32>
    %add3A_172 = arith.addi %iota3A, %add3A_171 : vector<256x128xi32>
    %select_n3A_173 = arith.select %gt3A_168, %add3A_172, %select_n3A_166 : vector<256x128xi1>, vector<256x128xi32>
    %slice3A_174 = vector.extract_strided_slice %dot_general3A_8 {offsets = [0, 3072], sizes = [256, 128], strides = [1, 1]} : vector<256x4096xf32> to vector<256x128xf32>
    %gt3A_175 = arith.cmpf ogt, %slice3A_174, %max3A_169 : vector<256x128xf32>
    %max3A_176 = arith.maximumf %max3A_169, %slice3A_174 : vector<256x128xf32>
    %add3A_177 = arith.constant 3072 : i32
    %add3A_178 = vector.broadcast %add3A_177 : i32 to vector<256x128xi32>
    %add3A_179 = arith.addi %iota3A, %add3A_178 : vector<256x128xi32>
    %select_n3A_180 = arith.select %gt3A_175, %add3A_179, %select_n3A_173 : vector<256x128xi1>, vector<256x128xi32>
    %slice3A_181 = vector.extract_strided_slice %dot_general3A_8 {offsets = [0, 3200], sizes = [256, 128], strides = [1, 1]} : vector<256x4096xf32> to vector<256x128xf32>
    %gt3A_182 = arith.cmpf ogt, %slice3A_181, %max3A_176 : vector<256x128xf32>
    %max3A_183 = arith.maximumf %max3A_176, %slice3A_181 : vector<256x128xf32>
    %add3A_184 = arith.constant 3200 : i32
    %add3A_185 = vector.broadcast %add3A_184 : i32 to vector<256x128xi32>
    %add3A_186 = arith.addi %iota3A, %add3A_185 : vector<256x128xi32>
    %select_n3A_187 = arith.select %gt3A_182, %add3A_186, %select_n3A_180 : vector<256x128xi1>, vector<256x128xi32>
    %slice3A_188 = vector.extract_strided_slice %dot_general3A_8 {offsets = [0, 3328], sizes = [256, 128], strides = [1, 1]} : vector<256x4096xf32> to vector<256x128xf32>
    %gt3A_189 = arith.cmpf ogt, %slice3A_188, %max3A_183 : vector<256x128xf32>
    %max3A_190 = arith.maximumf %max3A_183, %slice3A_188 : vector<256x128xf32>
    %add3A_191 = arith.constant 3328 : i32
    %add3A_192 = vector.broadcast %add3A_191 : i32 to vector<256x128xi32>
    %add3A_193 = arith.addi %iota3A, %add3A_192 : vector<256x128xi32>
    %select_n3A_194 = arith.select %gt3A_189, %add3A_193, %select_n3A_187 : vector<256x128xi1>, vector<256x128xi32>
    %slice3A_195 = vector.extract_strided_slice %dot_general3A_8 {offsets = [0, 3456], sizes = [256, 128], strides = [1, 1]} : vector<256x4096xf32> to vector<256x128xf32>
    %gt3A_196 = arith.cmpf ogt, %slice3A_195, %max3A_190 : vector<256x128xf32>
    %max3A_197 = arith.maximumf %max3A_190, %slice3A_195 : vector<256x128xf32>
    %add3A_198 = arith.constant 3456 : i32
    %add3A_199 = vector.broadcast %add3A_198 : i32 to vector<256x128xi32>
    %add3A_200 = arith.addi %iota3A, %add3A_199 : vector<256x128xi32>
    %select_n3A_201 = arith.select %gt3A_196, %add3A_200, %select_n3A_194 : vector<256x128xi1>, vector<256x128xi32>
    %slice3A_202 = vector.extract_strided_slice %dot_general3A_8 {offsets = [0, 3584], sizes = [256, 128], strides = [1, 1]} : vector<256x4096xf32> to vector<256x128xf32>
    %gt3A_203 = arith.cmpf ogt, %slice3A_202, %max3A_197 : vector<256x128xf32>
    %max3A_204 = arith.maximumf %max3A_197, %slice3A_202 : vector<256x128xf32>
    %add3A_205 = arith.constant 3584 : i32
    %add3A_206 = vector.broadcast %add3A_205 : i32 to vector<256x128xi32>
    %add3A_207 = arith.addi %iota3A, %add3A_206 : vector<256x128xi32>
    %select_n3A_208 = arith.select %gt3A_203, %add3A_207, %select_n3A_201 : vector<256x128xi1>, vector<256x128xi32>
    %slice3A_209 = vector.extract_strided_slice %dot_general3A_8 {offsets = [0, 3712], sizes = [256, 128], strides = [1, 1]} : vector<256x4096xf32> to vector<256x128xf32>
    %gt3A_210 = arith.cmpf ogt, %slice3A_209, %max3A_204 : vector<256x128xf32>
    %max3A_211 = arith.maximumf %max3A_204, %slice3A_209 : vector<256x128xf32>
    %add3A_212 = arith.constant 3712 : i32
    %add3A_213 = vector.broadcast %add3A_212 : i32 to vector<256x128xi32>
    %add3A_214 = arith.addi %iota3A, %add3A_213 : vector<256x128xi32>
    %select_n3A_215 = arith.select %gt3A_210, %add3A_214, %select_n3A_208 : vector<256x128xi1>, vector<256x128xi32>
    %slice3A_216 = vector.extract_strided_slice %dot_general3A_8 {offsets = [0, 3840], sizes = [256, 128], strides = [1, 1]} : vector<256x4096xf32> to vector<256x128xf32>
    %gt3A_217 = arith.cmpf ogt, %slice3A_216, %max3A_211 : vector<256x128xf32>
    %max3A_218 = arith.maximumf %max3A_211, %slice3A_216 : vector<256x128xf32>
    %add3A_219 = arith.constant 3840 : i32
    %add3A_220 = vector.broadcast %add3A_219 : i32 to vector<256x128xi32>
    %add3A_221 = arith.addi %iota3A, %add3A_220 : vector<256x128xi32>
    %select_n3A_222 = arith.select %gt3A_217, %add3A_221, %select_n3A_215 : vector<256x128xi1>, vector<256x128xi32>
    %slice3A_223 = vector.extract_strided_slice %dot_general3A_8 {offsets = [0, 3968], sizes = [256, 128], strides = [1, 1]} : vector<256x4096xf32> to vector<256x128xf32>
    %gt3A_224 = arith.cmpf ogt, %slice3A_223, %max3A_218 : vector<256x128xf32>
    %max3A_225 = arith.maximumf %max3A_218, %slice3A_223 : vector<256x128xf32>
    %add3A_226 = arith.constant 3968 : i32
    %add3A_227 = vector.broadcast %add3A_226 : i32 to vector<256x128xi32>
    %add3A_228 = arith.addi %iota3A, %add3A_227 : vector<256x128xi32>
    %select_n3A_229 = arith.select %gt3A_224, %add3A_228, %select_n3A_222 : vector<256x128xi1>, vector<256x128xi32>
    %get3A_230 = arith.constant 0 : index
    %get3A_231 = arith.constant 0 : index
    %get3A_232 = vector.load %arg1[%get3A_230, %get3A_231] : memref<256x256xf32, #tpu.memory_space<vmem>>, vector<256x256xf32>
    %get3A_233 = arith.constant 4096 : index
    %get3A_234 = arith.constant 0 : index
    %get3A_235 = vector.load %arg2[%get3A_233, %get3A_234] : memref<8192x256xf32, #tpu.memory_space<vmem>>, vector<4096x256xf32>
    %dot_general3A_236 = arith.constant dense<0.000000e+00> : vector<256x4096xf32>
    %dot_general3A_237 = tpu.matmul %get3A_232, %get3A_235, %dot_general3A_236 {dimension_numbers = #tpu.dot_dimension_numbers<[1], [1], [0], [0], [0, 0, 1, 0], [], []>, transpose_lhs_hint = false} : vector<256x256xf32>, vector<4096x256xf32>, vector<256x4096xf32> -> vector<256x4096xf32>
    %swap3A_238 = arith.constant 0 : index
    %swap3A_239 = arith.constant 4096 : index
    %swap3A_240 = vector.load %arg3[%swap3A_238, %swap3A_239] : memref<256x8192xf32, #tpu.memory_space<vmem>>, vector<256x4096xf32>
    tpu.vector_store %arg3[%swap3A_238, %swap3A_239], %dot_general3A_237 {strides = array<i32>} : memref<256x8192xf32, #tpu.memory_space<vmem>>, vector<256x4096xf32>,
    %slice3A_241 = vector.extract_strided_slice %dot_general3A_237 {offsets = [0, 0], sizes = [256, 128], strides = [1, 1]} : vector<256x4096xf32> to vector<256x128xf32>
    %gt3A_242 = arith.cmpf ogt, %slice3A_241, %max3A_225 : vector<256x128xf32>
    %max3A_243 = arith.maximumf %max3A_225, %slice3A_241 : vector<256x128xf32>
    %add3A_244 = arith.constant 4096 : i32
    %add3A_245 = vector.broadcast %add3A_244 : i32 to vector<256x128xi32>
    %add3A_246 = arith.addi %iota3A, %add3A_245 : vector<256x128xi32>
    %select_n3A_247 = arith.select %gt3A_242, %add3A_246, %select_n3A_229 : vector<256x128xi1>, vector<256x128xi32>
    %slice3A_248 = vector.extract_strided_slice %dot_general3A_237 {offsets = [0, 128], sizes = [256, 128], strides = [1, 1]} : vector<256x4096xf32> to vector<256x128xf32>
    %gt3A_249 = arith.cmpf ogt, %slice3A_248, %max3A_243 : vector<256x128xf32>
    %max3A_250 = arith.maximumf %max3A_243, %slice3A_248 : vector<256x128xf32>
    %add3A_251 = arith.constant 4224 : i32
    %add3A_252 = vector.broadcast %add3A_251 : i32 to vector<256x128xi32>
    %add3A_253 = arith.addi %iota3A, %add3A_252 : vector<256x128xi32>
    %select_n3A_254 = arith.select %gt3A_249, %add3A_253, %select_n3A_247 : vector<256x128xi1>, vector<256x128xi32>
    %slice3A_255 = vector.extract_strided_slice %dot_general3A_237 {offsets = [0, 256], sizes = [256, 128], strides = [1, 1]} : vector<256x4096xf32> to vector<256x128xf32>
    %gt3A_256 = arith.cmpf ogt, %slice3A_255, %max3A_250 : vector<256x128xf32>
    %max3A_257 = arith.maximumf %max3A_250, %slice3A_255 : vector<256x128xf32>
    %add3A_258 = arith.constant 4352 : i32
    %add3A_259 = vector.broadcast %add3A_258 : i32 to vector<256x128xi32>
    %add3A_260 = arith.addi %iota3A, %add3A_259 : vector<256x128xi32>
    %select_n3A_261 = arith.select %gt3A_256, %add3A_260, %select_n3A_254 : vector<256x128xi1>, vector<256x128xi32>
    %slice3A_262 = vector.extract_strided_slice %dot_general3A_237 {offsets = [0, 384], sizes = [256, 128], strides = [1, 1]} : vector<256x4096xf32> to vector<256x128xf32>
    %gt3A_263 = arith.cmpf ogt, %slice3A_262, %max3A_257 : vector<256x128xf32>
    %max3A_264 = arith.maximumf %max3A_257, %slice3A_262 : vector<256x128xf32>
    %add3A_265 = arith.constant 4480 : i32
    %add3A_266 = vector.broadcast %add3A_265 : i32 to vector<256x128xi32>
    %add3A_267 = arith.addi %iota3A, %add3A_266 : vector<256x128xi32>
    %select_n3A_268 = arith.select %gt3A_263, %add3A_267, %select_n3A_261 : vector<256x128xi1>, vector<256x128xi32>
    %slice3A_269 = vector.extract_strided_slice %dot_general3A_237 {offsets = [0, 512], sizes = [256, 128], strides = [1, 1]} : vector<256x4096xf32> to vector<256x128xf32>
    %gt3A_270 = arith.cmpf ogt, %slice3A_269, %max3A_264 : vector<256x128xf32>
    %max3A_271 = arith.maximumf %max3A_264, %slice3A_269 : vector<256x128xf32>
    %add3A_272 = arith.constant 4608 : i32
    %add3A_273 = vector.broadcast %add3A_272 : i32 to vector<256x128xi32>
    %add3A_274 = arith.addi %iota3A, %add3A_273 : vector<256x128xi32>
    %select_n3A_275 = arith.select %gt3A_270, %add3A_274, %select_n3A_268 : vector<256x128xi1>, vector<256x128xi32>
    %slice3A_276 = vector.extract_strided_slice %dot_general3A_237 {offsets = [0, 640], sizes = [256, 128], strides = [1, 1]} : vector<256x4096xf32> to vector<256x128xf32>
    %gt3A_277 = arith.cmpf ogt, %slice3A_276, %max3A_271 : vector<256x128xf32>
    %max3A_278 = arith.maximumf %max3A_271, %slice3A_276 : vector<256x128xf32>
    %add3A_279 = arith.constant 4736 : i32
    %add3A_280 = vector.broadcast %add3A_279 : i32 to vector<256x128xi32>
    %add3A_281 = arith.addi %iota3A, %add3A_280 : vector<256x128xi32>
    %select_n3A_282 = arith.select %gt3A_277, %add3A_281, %select_n3A_275 : vector<256x128xi1>, vector<256x128xi32>
    %slice3A_283 = vector.extract_strided_slice %dot_general3A_237 {offsets = [0, 768], sizes = [256, 128], strides = [1, 1]} : vector<256x4096xf32> to vector<256x128xf32>
    %gt3A_284 = arith.cmpf ogt, %slice3A_283, %max3A_278 : vector<256x128xf32>
    %max3A_285 = arith.maximumf %max3A_278, %slice3A_283 : vector<256x128xf32>
    %add3A_286 = arith.constant 4864 : i32
    %add3A_287 = vector.broadcast %add3A_286 : i32 to vector<256x128xi32>
    %add3A_288 = arith.addi %iota3A, %add3A_287 : vector<256x128xi32>
    %select_n3A_289 = arith.select %gt3A_284, %add3A_288, %select_n3A_282 : vector<256x128xi1>, vector<256x128xi32>
    %slice3A_290 = vector.extract_strided_slice %dot_general3A_237 {offsets = [0, 896], sizes = [256, 128], strides = [1, 1]} : vector<256x4096xf32> to vector<256x128xf32>
    %gt3A_291 = arith.cmpf ogt, %slice3A_290, %max3A_285 : vector<256x128xf32>
    %max3A_292 = arith.maximumf %max3A_285, %slice3A_290 : vector<256x128xf32>
    %add3A_293 = arith.constant 4992 : i32
    %add3A_294 = vector.broadcast %add3A_293 : i32 to vector<256x128xi32>
    %add3A_295 = arith.addi %iota3A, %add3A_294 : vector<256x128xi32>
    %select_n3A_296 = arith.select %gt3A_291, %add3A_295, %select_n3A_289 : vector<256x128xi1>, vector<256x128xi32>
    %slice3A_297 = vector.extract_strided_slice %dot_general3A_237 {offsets = [0, 1024], sizes = [256, 128], strides = [1, 1]} : vector<256x4096xf32> to vector<256x128xf32>
    %gt3A_298 = arith.cmpf ogt, %slice3A_297, %max3A_292 : vector<256x128xf32>
    %max3A_299 = arith.maximumf %max3A_292, %slice3A_297 : vector<256x128xf32>
    %add3A_300 = arith.constant 5120 : i32
    %add3A_301 = vector.broadcast %add3A_300 : i32 to vector<256x128xi32>
    %add3A_302 = arith.addi %iota3A, %add3A_301 : vector<256x128xi32>
    %select_n3A_303 = arith.select %gt3A_298, %add3A_302, %select_n3A_296 : vector<256x128xi1>, vector<256x128xi32>
    %slice3A_304 = vector.extract_strided_slice %dot_general3A_237 {offsets = [0, 1152], sizes = [256, 128], strides = [1, 1]} : vector<256x4096xf32> to vector<256x128xf32>
    %gt3A_305 = arith.cmpf ogt, %slice3A_304, %max3A_299 : vector<256x128xf32>
    %max3A_306 = arith.maximumf %max3A_299, %slice3A_304 : vector<256x128xf32>
    %add3A_307 = arith.constant 5248 : i32
    %add3A_308 = vector.broadcast %add3A_307 : i32 to vector<256x128xi32>
    %add3A_309 = arith.addi %iota3A, %add3A_308 : vector<256x128xi32>
    %select_n3A_310 = arith.select %gt3A_305, %add3A_309, %select_n3A_303 : vector<256x128xi1>, vector<256x128xi32>
    %slice3A_311 = vector.extract_strided_slice %dot_general3A_237 {offsets = [0, 1280], sizes = [256, 128], strides = [1, 1]} : vector<256x4096xf32> to vector<256x128xf32>
    %gt3A_312 = arith.cmpf ogt, %slice3A_311, %max3A_306 : vector<256x128xf32>
    %max3A_313 = arith.maximumf %max3A_306, %slice3A_311 : vector<256x128xf32>
    %add3A_314 = arith.constant 5376 : i32
    %add3A_315 = vector.broadcast %add3A_314 : i32 to vector<256x128xi32>
    %add3A_316 = arith.addi %iota3A, %add3A_315 : vector<256x128xi32>
    %select_n3A_317 = arith.select %gt3A_312, %add3A_316, %select_n3A_310 : vector<256x128xi1>, vector<256x128xi32>
    %slice3A_318 = vector.extract_strided_slice %dot_general3A_237 {offsets = [0, 1408], sizes = [256, 128], strides = [1, 1]} : vector<256x4096xf32> to vector<256x128xf32>
    %gt3A_319 = arith.cmpf ogt, %slice3A_318, %max3A_313 : vector<256x128xf32>
    %max3A_320 = arith.maximumf %max3A_313, %slice3A_318 : vector<256x128xf32>
    %add3A_321 = arith.constant 5504 : i32
    %add3A_322 = vector.broadcast %add3A_321 : i32 to vector<256x128xi32>
    %add3A_323 = arith.addi %iota3A, %add3A_322 : vector<256x128xi32>
    %select_n3A_324 = arith.select %gt3A_319, %add3A_323, %select_n3A_317 : vector<256x128xi1>, vector<256x128xi32>
    %slice3A_325 = vector.extract_strided_slice %dot_general3A_237 {offsets = [0, 1536], sizes = [256, 128], strides = [1, 1]} : vector<256x4096xf32> to vector<256x128xf32>
    %gt3A_326 = arith.cmpf ogt, %slice3A_325, %max3A_320 : vector<256x128xf32>
    %max3A_327 = arith.maximumf %max3A_320, %slice3A_325 : vector<256x128xf32>
    %add3A_328 = arith.constant 5632 : i32
    %add3A_329 = vector.broadcast %add3A_328 : i32 to vector<256x128xi32>
    %add3A_330 = arith.addi %iota3A, %add3A_329 : vector<256x128xi32>
    %select_n3A_331 = arith.select %gt3A_326, %add3A_330, %select_n3A_324 : vector<256x128xi1>, vector<256x128xi32>
    %slice3A_332 = vector.extract_strided_slice %dot_general3A_237 {offsets = [0, 1664], sizes = [256, 128], strides = [1, 1]} : vector<256x4096xf32> to vector<256x128xf32>
    %gt3A_333 = arith.cmpf ogt, %slice3A_332, %max3A_327 : vector<256x128xf32>
    %max3A_334 = arith.maximumf %max3A_327, %slice3A_332 : vector<256x128xf32>
    %add3A_335 = arith.constant 5760 : i32
    %add3A_336 = vector.broadcast %add3A_335 : i32 to vector<256x128xi32>
    %add3A_337 = arith.addi %iota3A, %add3A_336 : vector<256x128xi32>
    %select_n3A_338 = arith.select %gt3A_333, %add3A_337, %select_n3A_331 : vector<256x128xi1>, vector<256x128xi32>
    %slice3A_339 = vector.extract_strided_slice %dot_general3A_237 {offsets = [0, 1792], sizes = [256, 128], strides = [1, 1]} : vector<256x4096xf32> to vector<256x128xf32>
    %gt3A_340 = arith.cmpf ogt, %slice3A_339, %max3A_334 : vector<256x128xf32>
    %max3A_341 = arith.maximumf %max3A_334, %slice3A_339 : vector<256x128xf32>
    %add3A_342 = arith.constant 5888 : i32
    %add3A_343 = vector.broadcast %add3A_342 : i32 to vector<256x128xi32>
    %add3A_344 = arith.addi %iota3A, %add3A_343 : vector<256x128xi32>
    %select_n3A_345 = arith.select %gt3A_340, %add3A_344, %select_n3A_338 : vector<256x128xi1>, vector<256x128xi32>
    %slice3A_346 = vector.extract_strided_slice %dot_general3A_237 {offsets = [0, 1920], sizes = [256, 128], strides = [1, 1]} : vector<256x4096xf32> to vector<256x128xf32>
    %gt3A_347 = arith.cmpf ogt, %slice3A_346, %max3A_341 : vector<256x128xf32>
    %max3A_348 = arith.maximumf %max3A_341, %slice3A_346 : vector<256x128xf32>
    %add3A_349 = arith.constant 6016 : i32
    %add3A_350 = vector.broadcast %add3A_349 : i32 to vector<256x128xi32>
    %add3A_351 = arith.addi %iota3A, %add3A_350 : vector<256x128xi32>
    %select_n3A_352 = arith.select %gt3A_347, %add3A_351, %select_n3A_345 : vector<256x128xi1>, vector<256x128xi32>
    %slice3A_353 = vector.extract_strided_slice %dot_general3A_237 {offsets = [0, 2048], sizes = [256, 128], strides = [1, 1]} : vector<256x4096xf32> to vector<256x128xf32>
    %gt3A_354 = arith.cmpf ogt, %slice3A_353, %max3A_348 : vector<256x128xf32>
    %max3A_355 = arith.maximumf %max3A_348, %slice3A_353 : vector<256x128xf32>
    %add3A_356 = arith.constant 6144 : i32
    %add3A_357 = vector.broadcast %add3A_356 : i32 to vector<256x128xi32>
    %add3A_358 = arith.addi %iota3A, %add3A_357 : vector<256x128xi32>
    %select_n3A_359 = arith.select %gt3A_354, %add3A_358, %select_n3A_352 : vector<256x128xi1>, vector<256x128xi32>
    %slice3A_360 = vector.extract_strided_slice %dot_general3A_237 {offsets = [0, 2176], sizes = [256, 128], strides = [1, 1]} : vector<256x4096xf32> to vector<256x128xf32>
    %gt3A_361 = arith.cmpf ogt, %slice3A_360, %max3A_355 : vector<256x128xf32>
    %max3A_362 = arith.maximumf %max3A_355, %slice3A_360 : vector<256x128xf32>
    %add3A_363 = arith.constant 6272 : i32
    %add3A_364 = vector.broadcast %add3A_363 : i32 to vector<256x128xi32>
    %add3A_365 = arith.addi %iota3A, %add3A_364 : vector<256x128xi32>
    %select_n3A_366 = arith.select %gt3A_361, %add3A_365, %select_n3A_359 : vector<256x128xi1>, vector<256x128xi32>
    %slice3A_367 = vector.extract_strided_slice %dot_general3A_237 {offsets = [0, 2304], sizes = [256, 128], strides = [1, 1]} : vector<256x4096xf32> to vector<256x128xf32>
    %gt3A_368 = arith.cmpf ogt, %slice3A_367, %max3A_362 : vector<256x128xf32>
    %max3A_369 = arith.maximumf %max3A_362, %slice3A_367 : vector<256x128xf32>
    %add3A_370 = arith.constant 6400 : i32
    %add3A_371 = vector.broadcast %add3A_370 : i32 to vector<256x128xi32>
    %add3A_372 = arith.addi %iota3A, %add3A_371 : vector<256x128xi32>
    %select_n3A_373 = arith.select %gt3A_368, %add3A_372, %select_n3A_366 : vector<256x128xi1>, vector<256x128xi32>
    %slice3A_374 = vector.extract_strided_slice %dot_general3A_237 {offsets = [0, 2432], sizes = [256, 128], strides = [1, 1]} : vector<256x4096xf32> to vector<256x128xf32>
    %gt3A_375 = arith.cmpf ogt, %slice3A_374, %max3A_369 : vector<256x128xf32>
    %max3A_376 = arith.maximumf %max3A_369, %slice3A_374 : vector<256x128xf32>
    %add3A_377 = arith.constant 6528 : i32
    %add3A_378 = vector.broadcast %add3A_377 : i32 to vector<256x128xi32>
    %add3A_379 = arith.addi %iota3A, %add3A_378 : vector<256x128xi32>
    %select_n3A_380 = arith.select %gt3A_375, %add3A_379, %select_n3A_373 : vector<256x128xi1>, vector<256x128xi32>
    %slice3A_381 = vector.extract_strided_slice %dot_general3A_237 {offsets = [0, 2560], sizes = [256, 128], strides = [1, 1]} : vector<256x4096xf32> to vector<256x128xf32>
    %gt3A_382 = arith.cmpf ogt, %slice3A_381, %max3A_376 : vector<256x128xf32>
    %max3A_383 = arith.maximumf %max3A_376, %slice3A_381 : vector<256x128xf32>
    %add3A_384 = arith.constant 6656 : i32
    %add3A_385 = vector.broadcast %add3A_384 : i32 to vector<256x128xi32>
    %add3A_386 = arith.addi %iota3A, %add3A_385 : vector<256x128xi32>
    %select_n3A_387 = arith.select %gt3A_382, %add3A_386, %select_n3A_380 : vector<256x128xi1>, vector<256x128xi32>
    %slice3A_388 = vector.extract_strided_slice %dot_general3A_237 {offsets = [0, 2688], sizes = [256, 128], strides = [1, 1]} : vector<256x4096xf32> to vector<256x128xf32>
    %gt3A_389 = arith.cmpf ogt, %slice3A_388, %max3A_383 : vector<256x128xf32>
    %max3A_390 = arith.maximumf %max3A_383, %slice3A_388 : vector<256x128xf32>
    %add3A_391 = arith.constant 6784 : i32
    %add3A_392 = vector.broadcast %add3A_391 : i32 to vector<256x128xi32>
    %add3A_393 = arith.addi %iota3A, %add3A_392 : vector<256x128xi32>
    %select_n3A_394 = arith.select %gt3A_389, %add3A_393, %select_n3A_387 : vector<256x128xi1>, vector<256x128xi32>
    %slice3A_395 = vector.extract_strided_slice %dot_general3A_237 {offsets = [0, 2816], sizes = [256, 128], strides = [1, 1]} : vector<256x4096xf32> to vector<256x128xf32>
    %gt3A_396 = arith.cmpf ogt, %slice3A_395, %max3A_390 : vector<256x128xf32>
    %max3A_397 = arith.maximumf %max3A_390, %slice3A_395 : vector<256x128xf32>
    %add3A_398 = arith.constant 6912 : i32
    %add3A_399 = vector.broadcast %add3A_398 : i32 to vector<256x128xi32>
    %add3A_400 = arith.addi %iota3A, %add3A_399 : vector<256x128xi32>
    %select_n3A_401 = arith.select %gt3A_396, %add3A_400, %select_n3A_394 : vector<256x128xi1>, vector<256x128xi32>
    %slice3A_402 = vector.extract_strided_slice %dot_general3A_237 {offsets = [0, 2944], sizes = [256, 128], strides = [1, 1]} : vector<256x4096xf32> to vector<256x128xf32>
    %gt3A_403 = arith.cmpf ogt, %slice3A_402, %max3A_397 : vector<256x128xf32>
    %max3A_404 = arith.maximumf %max3A_397, %slice3A_402 : vector<256x128xf32>
    %add3A_405 = arith.constant 7040 : i32
    %add3A_406 = vector.broadcast %add3A_405 : i32 to vector<256x128xi32>
    %add3A_407 = arith.addi %iota3A, %add3A_406 : vector<256x128xi32>
    %select_n3A_408 = arith.select %gt3A_403, %add3A_407, %select_n3A_401 : vector<256x128xi1>, vector<256x128xi32>
    %slice3A_409 = vector.extract_strided_slice %dot_general3A_237 {offsets = [0, 3072], sizes = [256, 128], strides = [1, 1]} : vector<256x4096xf32> to vector<256x128xf32>
    %gt3A_410 = arith.cmpf ogt, %slice3A_409, %max3A_404 : vector<256x128xf32>
    %max3A_411 = arith.maximumf %max3A_404, %slice3A_409 : vector<256x128xf32>
    %add3A_412 = arith.constant 7168 : i32
    %add3A_413 = vector.broadcast %add3A_412 : i32 to vector<256x128xi32>
    %add3A_414 = arith.addi %iota3A, %add3A_413 : vector<256x128xi32>
    %select_n3A_415 = arith.select %gt3A_410, %add3A_414, %select_n3A_408 : vector<256x128xi1>, vector<256x128xi32>
    %slice3A_416 = vector.extract_strided_slice %dot_general3A_237 {offsets = [0, 3200], sizes = [256, 128], strides = [1, 1]} : vector<256x4096xf32> to vector<256x128xf32>
    %gt3A_417 = arith.cmpf ogt, %slice3A_416, %max3A_411 : vector<256x128xf32>
    %max3A_418 = arith.maximumf %max3A_411, %slice3A_416 : vector<256x128xf32>
    %add3A_419 = arith.constant 7296 : i32
    %add3A_420 = vector.broadcast %add3A_419 : i32 to vector<256x128xi32>
    %add3A_421 = arith.addi %iota3A, %add3A_420 : vector<256x128xi32>
    %select_n3A_422 = arith.select %gt3A_417, %add3A_421, %select_n3A_415 : vector<256x128xi1>, vector<256x128xi32>
    %slice3A_423 = vector.extract_strided_slice %dot_general3A_237 {offsets = [0, 3328], sizes = [256, 128], strides = [1, 1]} : vector<256x4096xf32> to vector<256x128xf32>
    %gt3A_424 = arith.cmpf ogt, %slice3A_423, %max3A_418 : vector<256x128xf32>
    %max3A_425 = arith.maximumf %max3A_418, %slice3A_423 : vector<256x128xf32>
    %add3A_426 = arith.constant 7424 : i32
    %add3A_427 = vector.broadcast %add3A_426 : i32 to vector<256x128xi32>
    %add3A_428 = arith.addi %iota3A, %add3A_427 : vector<256x128xi32>
    %select_n3A_429 = arith.select %gt3A_424, %add3A_428, %select_n3A_422 : vector<256x128xi1>, vector<256x128xi32>
    %slice3A_430 = vector.extract_strided_slice %dot_general3A_237 {offsets = [0, 3456], sizes = [256, 128], strides = [1, 1]} : vector<256x4096xf32> to vector<256x128xf32>
    %gt3A_431 = arith.cmpf ogt, %slice3A_430, %max3A_425 : vector<256x128xf32>
    %max3A_432 = arith.maximumf %max3A_425, %slice3A_430 : vector<256x128xf32>
    %add3A_433 = arith.constant 7552 : i32
    %add3A_434 = vector.broadcast %add3A_433 : i32 to vector<256x128xi32>
    %add3A_435 = arith.addi %iota3A, %add3A_434 : vector<256x128xi32>
    %select_n3A_436 = arith.select %gt3A_431, %add3A_435, %select_n3A_429 : vector<256x128xi1>, vector<256x128xi32>
    %slice3A_437 = vector.extract_strided_slice %dot_general3A_237 {offsets = [0, 3584], sizes = [256, 128], strides = [1, 1]} : vector<256x4096xf32> to vector<256x128xf32>
    %gt3A_438 = arith.cmpf ogt, %slice3A_437, %max3A_432 : vector<256x128xf32>
    %max3A_439 = arith.maximumf %max3A_432, %slice3A_437 : vector<256x128xf32>
    %add3A_440 = arith.constant 7680 : i32
    %add3A_441 = vector.broadcast %add3A_440 : i32 to vector<256x128xi32>
    %add3A_442 = arith.addi %iota3A, %add3A_441 : vector<256x128xi32>
    %select_n3A_443 = arith.select %gt3A_438, %add3A_442, %select_n3A_436 : vector<256x128xi1>, vector<256x128xi32>
    %slice3A_444 = vector.extract_strided_slice %dot_general3A_237 {offsets = [0, 3712], sizes = [256, 128], strides = [1, 1]} : vector<256x4096xf32> to vector<256x128xf32>
    %gt3A_445 = arith.cmpf ogt, %slice3A_444, %max3A_439 : vector<256x128xf32>
    %max3A_446 = arith.maximumf %max3A_439, %slice3A_444 : vector<256x128xf32>
    %add3A_447 = arith.constant 7808 : i32
    %add3A_448 = vector.broadcast %add3A_447 : i32 to vector<256x128xi32>
    %add3A_449 = arith.addi %iota3A, %add3A_448 : vector<256x128xi32>
    %select_n3A_450 = arith.select %gt3A_445, %add3A_449, %select_n3A_443 : vector<256x128xi1>, vector<256x128xi32>
    %slice3A_451 = vector.extract_strided_slice %dot_general3A_237 {offsets = [0, 3840], sizes = [256, 128], strides = [1, 1]} : vector<256x4096xf32> to vector<256x128xf32>
    %gt3A_452 = arith.cmpf ogt, %slice3A_451, %max3A_446 : vector<256x128xf32>
    %max3A_453 = arith.maximumf %max3A_446, %slice3A_451 : vector<256x128xf32>
    %add3A_454 = arith.constant 7936 : i32
    %add3A_455 = vector.broadcast %add3A_454 : i32 to vector<256x128xi32>
    %add3A_456 = arith.addi %iota3A, %add3A_455 : vector<256x128xi32>
    %select_n3A_457 = arith.select %gt3A_452, %add3A_456, %select_n3A_450 : vector<256x128xi1>, vector<256x128xi32>
    %slice3A_458 = vector.extract_strided_slice %dot_general3A_237 {offsets = [0, 3968], sizes = [256, 128], strides = [1, 1]} : vector<256x4096xf32> to vector<256x128xf32>
    %gt3A_459 = arith.cmpf ogt, %slice3A_458, %max3A_453 : vector<256x128xf32>
    %max3A_460 = arith.maximumf %max3A_453, %slice3A_458 : vector<256x128xf32>
    %add3A_461 = arith.constant 8064 : i32
    %add3A_462 = vector.broadcast %add3A_461 : i32 to vector<256x128xi32>
    %add3A_463 = arith.addi %iota3A, %add3A_462 : vector<256x128xi32>
    %select_n3A_464 = arith.select %gt3A_459, %add3A_463, %select_n3A_457 : vector<256x128xi1>, vector<256x128xi32>
    %reduce_max3A = arith.constant dense<0xFF800000> : vector<256xf32>
    %reduce_max3A_465 = vector.multi_reduction <maximumf>, %max3A_460, %reduce_max3A [1] : vector<256x128xf32> to vector<256xf32>
    %broadcast_in_dim3A_466 = vector.shape_cast %reduce_max3A_465 : vector<256xf32> to vector<256x1xf32>
    %eq3A = vector.broadcast %broadcast_in_dim3A_466 : vector<256x1xf32> to vector<256x128xf32>
    %eq3A_467 = arith.cmpf oeq, %max3A_460, %eq3A : vector<256x128xf32>
    %jit3A = arith.constant 1073741824 : i32
    %broadcast_in_dim3A_468 = vector.broadcast %jit3A : i32 to vector<256x128xi32>
    %select_n3A_469 = arith.select %eq3A_467, %select_n3A_464, %broadcast_in_dim3A_468 : vector<256x128xi1>, vector<256x128xi32>
    %reduce_min3A = arith.constant dense<2147483647> : vector<256xi32>
    %reduce_min3A_470 = vector.multi_reduction <minsi>, %select_n3A_469, %reduce_min3A [1] : vector<256x128xi32> to vector<256xi32>
    %swap3A_471 = arith.constant 0 : index
    %swap3A_472 = vector.load %arg4[%swap3A_471] : memref<256xi32, #tpu.memory_space<vmem>>, vector<256xi32>
    tpu.vector_store %arg4[%swap3A_471], %reduce_min3A_470 {strides = array<i32>} : memref<256xi32, #tpu.memory_space<vmem>>, vector<256xi32>,
    return
  }
  func.func @transform_0(%arg0: i32) -> (i32, i32) {
    %c0_i32 = arith.constant 0 : i32
    %c0_i32_0 = arith.constant 0 : i32
    return %arg0, %c0_i32 : i32, i32
  }
  func.func @transform_1(%arg0: i32) -> (i32, i32) {
    %c0_i32 = arith.constant 0 : i32
    %c0_i32_0 = arith.constant 0 : i32
    %c0_i32_1 = arith.constant 0 : i32
    return %c0_i32, %c0_i32_0 : i32, i32
  }
  func.func @transform_2(%arg0: i32) -> (i32, i32) {
    %c0_i32 = arith.constant 0 : i32
    %c0_i32_0 = arith.constant 0 : i32
    return %arg0, %c0_i32 : i32, i32
  }
  func.func @transform_3(%arg0: i32) -> i32 {
    %c0_i32 = arith.constant 0 : i32
    return %arg0 : i32
  }
}

</mosaic_0001>

<sc_bundles>
// kernel: kernel.4.cloned.1.call-start
scs
__scs_entry_jumppad:
0x0: {  	(pc) =	sbr.rel $0x88, $3  }
0x1: {  	(tag) =	ssettag $0x0;
	lr =	simm.s32 $0x1  }
0x2: {  	[smem:$0x3F9F] =	sst lr;
	_ =	strace $0xD0000000  }
0x3: {  	_ = 	snop  }
0x4: {  	_ = 	snop  }
0x5: {  	_ = 	snop  }
0x6: {  	_ = 	snop  }
0x7: {  	_ = 	snop  }
__scs_overlays_trampoline_lowered:
0x8: {  	[smem:$0x3FAE] =	sst s0  }
0x9: {  	[smem:$0x3FAF] =	sst s1  }
0xa: {  	[smem:$0x3FB0] =	sst s2  }
0xb: {  	[smem:$0x3FB1] =	sst s3  }
0xc: {  	[smem:$0x3FB2] =	sst s4  }
0xd: {  	[smem:$0x3FB3] =	sst s5  }
0xe: {  	[smem:$0x3FB4] =	sst s6  }
0xf: {  	[smem:$0x3FB5] =	sst s7  }
0x10: {  	[smem:$0x3FB6] =	sst s8  }
0x11: {  	[smem:$0x3FB7] =	sst s9;
	s0 =	simm.s32 @!p0 $0x0  }
0x12: {  	s1 =	sld [smem:$0x3F9D];
	s0 =	simm.s32 @p0 $0x1  }
0x13: {  	[smem:$0x3FB8] =	sst s0;
	s0 =	simm.s32 @!p1 $0x0  }
0x14: {  	s2 =	sld [smem:$0x3F9C];
	s0 =	simm.s32 @p1 $0x1  }
0x15: {  	[smem:$0x3FB9] =	sst s0;
	s0 =	simm.s32 @!p2 $0x0  }
0x16: {  	s3 =	sld [smem:$0x3FDB];
	s0 =	simm.s32 @p2 $0x1  }
0x17: {  	s4 =	simm.s32 $0x1BF5;
	[smem:$0x3FBB] =	sst s0  }
0x18: {  	s0 =	sld [smem:$0x3F9E];
	_ =	swait.ge [sflag:s4], $0x0  }
0x19: {  	s7 =	sld [smem:$0x3F9F]  }
0x1a: {  	s8 =	sadd.s32 $0xFFFFE003, lr  }
0x1b: {  	s9 =	sadd.s32 $0xFFFFFEF7, lr;
	s5 =	simm.s32 $0xFFFFFFFF;
	p2 =	slt.u32 s8, $0xFFFFF086  }
0x1c: {  	p1 =	slt.u32 s9, $0xF7A;
	s5 =	simm.s32 @!p2 $0x0  }
0x1d: {  	s5 =	simm.s32 @p1 $0x1;
	p0 =	seq.s32 s7, s2  }
0x1e: {  	s7 =	smul.u32 @!p0 $0xF7A, s2;
	p2 =	seq.s32 @!p0 s5, $0x0  }
0x1f: {  	s9 =	smul.u32 $0xF7A, s1;
	s8 =	simm.s32 @!p0 $0x1BF5;
	p2 =	por !p2, p0  }
0x20: {  	[sflag:s8] =	ssyncset.s32 @!p0 $0xFFFFF086;
	s6 =	sadd.s32 @!p0 s3, s7;
	s7 =	simm.s32 @!p0 $0x108  }
0x21: {  	s3 =	sadd.s32 s3, s9;
	s6 =	sadd.s32 @!p0 $0x88, s6;
	s7 =	simm.s32 @p2 $0x1082  }
0x22: {  	[simem:s7], [sflag:s8] =	dma.local @!p0 [hbm:s6], $0xF7A  }
0x23: {  	s9 =	sor.u32 $0xD0000000, s2;
	s6 =	simm.s32 $0x108;
	_ =	swait.ge @!p0 [sflag:s8], $0x0  }
0x24: {  	s3 =	sadd.s32 $0x88, s3;
	s6 =	simm.s32 @!p1 $0x1082;
	[sflag:s4] =	ssyncset.s32 $0xFFFFF086  }
0x25: {  	[simem:s6], [sflag:s4] =	dma.local [hbm:s3], $0xF7A  }
0x26: {  	[smem:$0x3F9F] =	sst s1;
	(tag) =	ssettag s2;
	_ =	strace s9  }
0x27: {  	s1 =	sld [smem:$0x3FAF]  }
0x28: {  	s2 =	sld [smem:$0x3FB0]  }
0x29: {  	s4 =	sld [smem:$0x3FB2]  }
0x2a: {  	p0 =	seq.s32 s5, $0x0;
	s5 =	sld [smem:$0x3FB3]  }
0x2b: {  	s6 =	sld [smem:$0x3FB4]  }
0x2c: {  	s7 =	sld [smem:$0x3FB5]  }
0x2d: {  	s3 =	simm.s32 $0x108;
	s8 =	sld [smem:$0x3FB6]  }
0x2e: {  	s3 =	simm.s32 @!p0 $0x1082;
	s9 =	sld [smem:$0x3FB7]  }
0x2f: {  	lr =	sadd.s32 s0, s3;
	s0 =	sld [smem:$0x3FAE]  }
0x30: {  	s3 =	sld [smem:$0x3FB1]  }
0x31: {  	[smem:$0x3FBA] =	sst s10  }
0x32: {  	s10 =	sld [smem:$0x3FB8];
	_ =	sdelay $0x3  }
0x33: {  	p0 =	seq.s32 s10, $0x1;
	s10 =	sld [smem:$0x3FBA];
	_ =	sdelay $0x3  }
0x34: {  	[smem:$0x3FBA] =	sst s10  }
0x35: {  	s10 =	sld [smem:$0x3FB9];
	_ =	sdelay $0x3  }
0x36: {  	p1 =	seq.s32 s10, $0x1;
	s10 =	sld [smem:$0x3FBA];
	_ =	sdelay $0x3  }
0x37: {  	[smem:$0x3FBA] =	sst s10  }
0x38: {  	s10 =	sld [smem:$0x3FBB]  }
0x39: {  	_ = 	snop;
	(pc) =	sbr.ind lr, $3  }
0x3a: {  	_ = 	snop  }
0x3b: {  	_ = 	snop  }
0x3c: {  	p2 =	seq.s32 s10, $0x1;
	s10 =	sld [smem:$0x3FBA]  }
0x3d: {  	_ =	shalt  }
0x3e: {  	_ =	shalt  }
0x3f: {  	_ =	shalt  }
0x40: {  	_ =	shalt  }
0x41: {  	_ =	shalt  }
0x42: {  	_ =	shalt  }
0x43: {  	_ =	shalt  }
0x44: {  	_ =	shalt  }
0x45: {  	_ =	shalt  }
0x46: {  	_ =	shalt  }
0x47: {  	_ =	shalt  }
0x48: {  	_ =	shalt  }
0x49: {  	_ =	shalt  }
0x4a: {  	_ =	shalt  }
0x4b: {  	_ =	shalt  }
0x4c: {  	_ =	shalt  }
0x4d: {  	_ =	shalt  }
0x4e: {  	_ =	shalt  }
0x4f: {  	_ =	shalt  }
0x50: {  	_ =	shalt  }
0x51: {  	_ =	shalt  }
0x52: {  	_ =	shalt  }
0x53: {  	_ =	shalt  }
0x54: {  	_ =	shalt  }
0x55: {  	_ =	shalt  }
0x56: {  	_ =	shalt  }
0x57: {  	_ =	shalt  }
0x58: {  	_ =	shalt  }
0x59: {  	_ =	shalt  }
0x5a: {  	_ =	shalt  }
0x5b: {  	_ =	shalt  }
0x5c: {  	_ =	shalt  }
0x5d: {  	_ =	shalt  }
0x5e: {  	_ =	shalt  }
0x5f: {  	_ =	shalt  }
0x60: {  	_ =	shalt  }
0x61: {  	_ =	shalt  }
0x62: {  	_ =	shalt  }
0x63: {  	_ =	shalt  }
0x64: {  	_ =	shalt  }
0x65: {  	_ =	shalt  }
0x66: {  	_ =	shalt  }
0x67: {  	_ =	shalt  }
0x68: {  	_ =	shalt  }
0x69: {  	_ =	shalt  }
0x6a: {  	_ =	shalt  }
0x6b: {  	_ =	shalt  }
0x6c: {  	_ =	shalt  }
0x6d: {  	_ =	shalt  }
0x6e: {  	_ =	shalt  }
0x6f: {  	_ =	shalt  }
0x70: {  	_ =	shalt  }
0x71: {  	_ =	shalt  }
0x72: {  	_ =	shalt  }
0x73: {  	_ =	shalt  }
0x74: {  	_ =	shalt  }
0x75: {  	_ =	shalt  }
0x76: {  	_ =	shalt  }
0x77: {  	_ =	shalt  }
0x78: {  	_ =	shalt  }
0x79: {  	_ =	shalt  }
0x7a: {  	_ =	shalt  }
0x7b: {  	_ =	shalt  }
0x7c: {  	_ =	shalt  }
0x7d: {  	_ =	shalt  }
0x7e: {  	_ =	shalt  }
0x7f: {  	_ =	shalt  }
0x80: {  	_ =	shalt  }
0x81: {  	_ =	shalt  }
0x82: {  	_ =	shalt  }
0x83: {  	_ =	shalt  }
0x84: {  	_ =	shalt  }
0x85: {  	_ =	shalt  }
0x86: {  	_ =	shalt  }
0x87: {  	_ =	shalt  }
.Lfunc_end0:
.L_simem_size_0:
called_computation_lowered:
.L_overlay_start_0:
0x88: {  	s2 =	sld [smem:$0x3FD9]  }
0x89: {  	s3 =	sld [smem:$0x3FFE];
	_ =	sdelay $0x1  }
0x8a: {  	s1 =	srdreg.scid  }
0x8b: {  	s0 =	sand.u32 $0x1, s1  }
0x8c: {  	s14 =	sshll.u32 s0, $0xA;
	s2 =	sadd.s32 s3, s2  }
0x8d: {  	s2 =	sadd.s32 s2, s14  }
0x8e: {  	[smem:$0x3FC6] =	sst s2  }
0x8f: {  	_ = 	snop  }
0x90: {  	s2 =	sld [smem:$0x3FD0];
	_ =	sdelay $0x2  }
0x91: {  	s4 =	simm.s32 $0xA;
	s5 =	simm.s32 $0x10;
	s15 =	sld [smem:$0x3FC8]  }
0x92: {  	[smem:s5], [sflag:s4] =	dma.local [hbm:s2], $0x1  }
0x93: {  	_ =	swait.eq [sflag:s4], $0x1  }
0x94: {  	[sflag:s4] =	ssyncset.done $0x0  }
0x95: {  	[sflag:s4] =	ssyncadd.s32 $0xFFFFFFFF  }
0x96: {  	s16 =	sld [smem:$0x10];
	(tm) =	ssettm $0x1  }
0x97: {  	s17 =	sld [smem:$0x3FFB];
	_ =	sdelay $0x3  }
0x98: {  	_ =	strace s17  }
0x99: {  	s4 =	sld [smem:$0x3FFC];
	_ =	sdelay $0x3  }
0x9a: {  	_ =	strace s4  }
0x9b: {  	s4 =	sld [smem:$0x3FFD];
	_ =	sdelay $0x3  }
0x9c: {  	_ =	strace s4  }
0x9d: {  	_ =	strace $0x8FFFFFFF  }
0x9e: {  	s18 =	sld [smem:$0x3FDB];
	_ =	sdelay $0x1  }
0x9f: {  	s19 =	simm.s32 $_scs_section_size  }
0xa0: {  	s6 =	simm.s32 $_size__tile_overlayer_lowered;
	s7 =	simm.s32 $_tile_overlayer_lowered  }
0xa1: {  	s22 =	simm.s32 $0x1BFF;
	s21 =	sshll.u32 s7, $0x1;
	s4 =	sadd.s32 s19, s18  }
0xa2: {  	s8 =	simm.s32 $0x0;
	s20 =	sshll.u32 s6, $0x1;
	s6 =	sadd.s32 s21, s4  }
0xa3: {  	[timem:s8], [sflag:s22] =	dma.local [hbm:s6], s20  }
0xa4: {  	_ =	swait.ge [sflag:s22], s20  }
0xa5: {  	s5 =	ssub.s32 $0x0, s20;
	[sflag:s22] =	ssyncset.done $0x0  }
0xa6: {  	[sflag:s22] =	ssyncadd.s32 s5;
	_ =	sdelay $0x1  }
0xa7: {  	s23 =	simm.s32 $0x1B8B  }
0xa8: {  	_ =	swait.ge [sflag:s23], $0x1  }
0xa9: {  	[sflag:s23] =	ssyncset.done $0x0  }
0xaa: {  	s25 =	simm.s32 $0x1B8E;
	s24 =	sld [smem:$0x3FFE];
	[sflag:s23] =	ssyncadd.s32 $0xFFFFFFFF  }
0xab: {  	s26 =	simm.s32 $execute0_lowered;
	[smem:$0x3FD2] =	sst s25  }
0xac: {  	s6 =	sshll.u32 s26, $0x1;
	_ =	strace $0x80000046;
	[dreg:$0x1] =	wrdreg $0xFFFFFFFF  }
0xad: {  	s28 =	simm.s32 $_size_execute0_lowered;
	s4 =	sadd.s32 s4, s6;
	[dreg:$0x0] =	wrdreg $0x0  }
0xae: {  	s6 =	sshll.u32 s28, $0x1;
	[dreg:$0x2] =	wrdreg s4  }
0xaf: {  	[dreg:$0x3] =	wrdreg s6  }
0xb0: {  	[dreg:$0x4] =	wrdreg $0xC0  }
0xb1: {  	_ =	task [dreg:s8], $0x5FFFF  }
0xb2: {  	[dreg:$0x1] =	wrdreg $0xFFFFFFFF  }
0xb3: {  	[dreg:$0x0] =	wrdreg $0x60  }
0xb4: {  	[dreg:$0x2] =	wrdreg s15  }
0xb5: {  	[dreg:$0x3] =	wrdreg s24  }
0xb6: {  	[dreg:$0x4] =	wrdreg s16  }
0xb7: {  	[dreg:$0x5] =	wrdreg $0x9  }
0xb8: {  	_ =	task.clear_ibuf [dreg:s8], $0x6FFFF;
	_ =	strace $0x90000046  }
0xb9: {  	s29 =	simm.s32 $0x9;
	_ =	strace $0x80000048  }
0xba: {  	_ =	swait.ge [sflag:s29], $0x1  }
0xbb: {  	[sflag:s29] =	ssyncadd.s32 $0xFFFFFFFF  }
0xbc: {  	_ =	strace $0x90000048  }
0xbd: {  	_ =	sfence  }
0xbe: {  	s30 =	sld [smem:$0x0];
	_ =	sdelay $0x2  }
0xbf: {  	s31 =	sshll.u32 s1, $0xD;
	s1 =	sshrl.u32 s1, $0x2  }
0xc0: {  	s3 =	sand.u32 $0x4000, s31;
	s1 =	sadd.s32 s1, s30  }
0xc1: {  	s0 =	sor.u32 s3, s0;
	s1 =	sshll.u32 s1, $0x11  }
0xc2: {  	s0 =	sor.u32 s1, s0  }
0xc3: {  	s0 =	sadd.s32 $0x8F2B, s0  }
0xc4: {  	[sflag:s0] =	ssyncadd.remote.s32 $0x1  }
0xc5: {  	_ =	sfence.sel $0xFFFF  }
0xc6: {  	[dreg:$0x0] =	wrdreg $0xFFFFFFFF;
	(pc) =	sbr.abs _section_cstart, $3  }
0xc7: {  	[dreg:$0x1] =	wrdreg $0xFFFFFFFF  }
0xc8: {  	_ =	task.clear_ibuf [dreg:s8], $0x2FFFF;
	_ =	strace $0x9FFFFFFF  }
0xc9: {  	(tm) =	ssettm $0x7FFFFFFF  }
tec
execute0_lowered:
.L_overlay_start_1:
0x0: {  	(tag) =	ssettag $0x1  }
0x1: {  	s1 =	srdreg.scid;
	s2 =	rddreg [dreg:$0x0]  }
0x2: {  	s0 =	stileid.u32;
	s5 =	rddreg [dreg:$0x1]  }
0x3: {  	s7 =	rddreg [dreg:$0x2];
	s1 =	sand.u32 $0x1, s1;
	s3 =	sshll.u32 s0, $0x1  }
0x4: {  	s13 =	simm.s32 $0x80;
	s4 =	sor.u32 s1, s3;
	s3 =	simm.s32 $0x0  }
0x5: {  	s14 =	simm.s32 $0x100;
	s15 =	simm.s32 $0xA00;
	[smem:$0x7FF] =	sst s3  }
0x6: {  	s16 =	simm.s32 $0x1200;
	_ =	strace $0x80000047;
	[dreg:$0x8] =	wrdreg s13  }
0x7: {  	s17 =	simm.s32 $0x1A00;
	s18 =	simm.s32 $0x2200;
	[dreg:$0x9] =	wrdreg s14  }
0x8: {  	s19 =	simm.s32 $0x2A00;
	s20 =	simm.s32 $0x3200;
	[dreg:$0xa] =	wrdreg s15  }
0x9: {  	s21 =	simm.s32 $0x3A00;
	s23 =	simm.s32 $0x4200;
	[dreg:$0xb] =	wrdreg s16  }
0xa: {  	s24 =	simm.s32 $0x4A00;
	s25 =	simm.s32 $0x5200;
	[dreg:$0xc] =	wrdreg s17  }
0xb: {  	s26 =	simm.s32 $0x5A00;
	s8 =	simm.s32 $0x6A00;
	[dreg:$0xd] =	wrdreg s18  }
0xc: {  	s9 =	simm.s32 $0x7200;
	s10 =	simm.s32 $0x7A00;
	[dreg:$0xe] =	wrdreg s19  }
0xd: {  	s11 =	simm.s32 $0x8200;
	s28 =	simm.s32 $0x10200;
	[dreg:$0xf] =	wrdreg s20  }
0xe: {  	s29 =	simm.s32 $0x10A00;
	s30 =	simm.s32 $0x11200;
	[dreg:$0x10] =	wrdreg s21  }
0xf: {  	s31 =	simm.s32 $0x11A00;
	s1 =	ssub.s32 $0x2, s1;
	[dreg:$0x11] =	wrdreg s23  }
0x10: {  	s6 =	smul.u32 $0x120, s4;
	s22 =	sshrl.u32 s1, $0x1;
	[dreg:$0x12] =	wrdreg s24  }
0x11: {  	s4 =	smul.u32 $0x2400, s4;
	s1 =	ssub.s32 s1, s22;
	[dreg:$0x13] =	wrdreg s25  }
0x12: {  	[dreg:$0x14] =	wrdreg s26;
	s13 =	simm.s32 $0x9200;
	s14 =	simm.s32 $0x9A00  }
0x13: {  	s15 =	simm.s32 $0xA200;
	s16 =	simm.s32 $0xAA00;
	s17 =	simm.s32 $0xB200  }
0x14: {  	s18 =	simm.s32 $0xBA00;
	s19 =	simm.s32 $0xC200;
	s20 =	simm.s32 $0xCA00  }
0x15: {  	s21 =	simm.s32 $0xD200;
	s22 =	simm.s32 $0xDA00;
	s6 =	sshrl.u32 s6, $0x3  }
0x16: {  	s23 =	simm.s32 $0xE200;
	s4 =	sadd.s32 s7, s4;
	s5 =	sadd.s32 s6, s5  }
0x17: {  	s24 =	simm.s32 $0xEA00;
	[dreg:$0x7] =	wrdreg s4;
	s6 =	sadd.s32 $0xE00, s5  }
0x18: {  	s25 =	simm.s32 $0xF200;
	s12 =	sadd.s32 $0xE0C, s5;
	[dreg:$0x4] =	wrdreg s6  }
0x19: {  	v2 =	vlaneseq.u32;
	s26 =	simm.s32 $0xFA00;
	s5 =	sadd.s32 $0xE18, s5;
	[dreg:$0x5] =	wrdreg s12  }
0x1a: {  	vm0 =	vmmov $0xffff;
	v1 =	vshrl.u32 v2, $0x3;
	s4 =	smax.u32 s1, $0x1;
	s1 =	simm.s32 $0x1;
	[dreg:$0x6] =	wrdreg s5  }
0x1b: {  	v0 =	vand.u32 $0x7, v2;
	v2 =	vor.u32 $0x8, v2;
	v1 =	vmul.u32 $0x8, v1;
	s5 =	simm.s32 $0x2;
	s6 =	simm.s32 $0x200;
	s12 =	simm.s32 $0x8A00  }
.LBB2_1:
0x1c: {  	s0 =	rddreg [dreg:$0x4]  }
0x1d: {  	[tilespmem:s3], [sflag:$0x2] =	stream.linear.gather [hbm4b:s0+s3], $0x60, $0x38;
	[tilespmem:$0x12200] =	vst v63  }
0x1e: {  	_ =	swait.ge [sflag:s5], $0x60  }
0x1f: {  	s0 =	rddreg [dreg:$0x5];
	[sflag:s5] =	ssyncset.done $0x0  }
0x20: {  	s7 =	rddreg [dreg:$0x8];
	[sflag:s5] =	ssyncadd.s32 $0xFFFFFFA0  }
0x21: {  	[tilespmem:s7], [sflag:$0x2] =	stream.linear.gather [hbm4b:s0+s3], $0x60, $0x38;
	[tilespmem:$0x12200] =	vst v63  }
0x22: {  	_ =	swait.ge [sflag:s5], $0x60  }
0x23: {  	s0 =	rddreg [dreg:$0x6];
	[sflag:s5] =	ssyncset.done $0x0  }
0x24: {  	s7 =	rddreg [dreg:$0x9];
	[sflag:s5] =	ssyncadd.s32 $0xFFFFFFA0  }
0x25: {  	[tilespmem:s7], [sflag:$0x2] =	stream.linear.gather [hbm4b:s0+s3], $0x60, $0x38;
	[tilespmem:$0x12200] =	vst v63  }
0x26: {  	_ =	swait.ge [sflag:s5], $0x60  }
0x27: {  	[sflag:s5] =	ssyncset.done $0x0  }
0x28: {  	[sflag:s5] =	ssyncadd.s32 $0xFFFFFFA0  }
0x29: {  	v3 =	vld [tilespmem:$0x0];
	_ =	sdelay $0x4  }
0x2a: {  	v4 =	vshll.u32 v3, $0x1  }
0x2b: {  	v3 =	vand.u32 $0x7, v3;
	v4 =	vand.u32 $0xFFFFFFF0, v4  }
0x2c: {  	v3 =	vor.u32 v3, v4  }
0x2d: {  	v4 =	vperm.xlane v3, v0;
	_ =	sdelay $0x1  }
0x2e: {  	v3 =	vperm.xlane v3, v2;
	v4 =	vadd.s32 v1, v4;
	_ =	sdelay $0x1  }
0x2f: {  	v3 =	vadd.s32 v1, v3;
	_ =	sdelay $0x2  }
0x30: {  	[tilespmem:s6], [sflag:$0x1] =	stream.indirect_vreg.gather [hbm4b:s2+s3], $0x80, v4, vm0, $0xb8;
	[tilespmem:$0x12200] =	vst v63  }
0x31: {  	s7 =	rddreg [dreg:$0xa]  }
0x32: {  	[tilespmem:s7], [sflag:$0x1] =	stream.indirect_vreg.gather [hbm4b:s2+s3], $0x80, v3, vm0, $0xb8;
	[tilespmem:$0x12200] =	vst v63  }
0x33: {  	v3 =	vld [tilespmem:$0x10];
	_ =	sdelay $0x4  }
0x34: {  	v47 =	vshll.u32 v3, $0x1  }
0x35: {  	v3 =	vand.u32 $0x7, v3;
	v4 =	vand.u32 $0xFFFFFFF0, v47  }
0x36: {  	v3 =	vor.u32 v3, v4  }
0x37: {  	v4 =	vperm.xlane v3, v0;
	_ =	sdelay $0x1  }
0x38: {  	v3 =	vperm.xlane v3, v2;
	v4 =	vadd.s32 v1, v4;
	_ =	sdelay $0x1  }
0x39: {  	v3 =	vadd.s32 v1, v3;
	_ =	sdelay $0x1  }
0x3a: {  	s0 =	rddreg [dreg:$0xb]  }
0x3b: {  	[tilespmem:s0], [sflag:$0x1] =	stream.indirect_vreg.gather [hbm4b:s2+s3], $0x80, v4, vm0, $0xb8;
	[tilespmem:$0x12200] =	vst v63  }
0x3c: {  	s7 =	rddreg [dreg:$0xc]  }
0x3d: {  	[tilespmem:s7], [sflag:$0x1] =	stream.indirect_vreg.gather [hbm4b:s2+s3], $0x80, v3, vm0, $0xb8;
	[tilespmem:$0x12200] =	vst v63  }
0x3e: {  	v3 =	vld [tilespmem:$0x20];
	_ =	sdelay $0x4  }
0x3f: {  	v48 =	vshll.u32 v3, $0x1  }
0x40: {  	v3 =	vand.u32 $0x7, v3;
	v4 =	vand.u32 $0xFFFFFFF0, v48  }
0x41: {  	v3 =	vor.u32 v3, v4  }
0x42: {  	v4 =	vperm.xlane v3, v0;
	_ =	sdelay $0x1  }
0x43: {  	v3 =	vperm.xlane v3, v2;
	v4 =	vadd.s32 v1, v4;
	_ =	sdelay $0x1  }
0x44: {  	v3 =	vadd.s32 v1, v3;
	_ =	sdelay $0x1  }
0x45: {  	s0 =	rddreg [dreg:$0xd]  }
0x46: {  	[tilespmem:s0], [sflag:$0x1] =	stream.indirect_vreg.gather [hbm4b:s2+s3], $0x80, v4, vm0, $0xb8;
	[tilespmem:$0x12200] =	vst v63  }
0x47: {  	s7 =	rddreg [dreg:$0xe]  }
0x48: {  	[tilespmem:s7], [sflag:$0x1] =	stream.indirect_vreg.gather [hbm4b:s2+s3], $0x80, v3, vm0, $0xb8;
	[tilespmem:$0x12200] =	vst v63  }
0x49: {  	v3 =	vld [tilespmem:$0x30];
	_ =	sdelay $0x4  }
0x4a: {  	v49 =	vshll.u32 v3, $0x1  }
0x4b: {  	v3 =	vand.u32 $0x7, v3;
	v4 =	vand.u32 $0xFFFFFFF0, v49  }
0x4c: {  	v3 =	vor.u32 v3, v4  }
0x4d: {  	v4 =	vperm.xlane v3, v0;
	_ =	sdelay $0x1  }
0x4e: {  	v3 =	vperm.xlane v3, v2;
	v4 =	vadd.s32 v1, v4;
	_ =	sdelay $0x1  }
0x4f: {  	v3 =	vadd.s32 v1, v3;
	_ =	sdelay $0x1  }
0x50: {  	s0 =	rddreg [dreg:$0xf]  }
0x51: {  	[tilespmem:s0], [sflag:$0x1] =	stream.indirect_vreg.gather [hbm4b:s2+s3], $0x80, v4, vm0, $0xb8;
	[tilespmem:$0x12200] =	vst v63  }
0x52: {  	s7 =	rddreg [dreg:$0x10]  }
0x53: {  	[tilespmem:s7], [sflag:$0x1] =	stream.indirect_vreg.gather [hbm4b:s2+s3], $0x80, v3, vm0, $0xb8;
	[tilespmem:$0x12200] =	vst v63  }
0x54: {  	v3 =	vld [tilespmem:$0x40];
	_ =	sdelay $0x4  }
0x55: {  	v50 =	vshll.u32 v3, $0x1  }
0x56: {  	v3 =	vand.u32 $0x7, v3;
	v4 =	vand.u32 $0xFFFFFFF0, v50  }
0x57: {  	v3 =	vor.u32 v3, v4  }
0x58: {  	v4 =	vperm.xlane v3, v0;
	_ =	sdelay $0x1  }
0x59: {  	v3 =	vperm.xlane v3, v2;
	v4 =	vadd.s32 v1, v4;
	_ =	sdelay $0x1  }
0x5a: {  	v3 =	vadd.s32 v1, v3;
	_ =	sdelay $0x1  }
0x5b: {  	s0 =	rddreg [dreg:$0x11]  }
0x5c: {  	[tilespmem:s0], [sflag:$0x1] =	stream.indirect_vreg.gather [hbm4b:s2+s3], $0x80, v4, vm0, $0xb8;
	[tilespmem:$0x12200] =	vst v63  }
0x5d: {  	s7 =	rddreg [dreg:$0x12]  }
0x5e: {  	[tilespmem:s7], [sflag:$0x1] =	stream.indirect_vreg.gather [hbm4b:s2+s3], $0x80, v3, vm0, $0xb8;
	[tilespmem:$0x12200] =	vst v63  }
0x5f: {  	v3 =	vld [tilespmem:$0x50];
	_ =	sdelay $0x4  }
0x60: {  	v51 =	vshll.u32 v3, $0x1  }
0x61: {  	v3 =	vand.u32 $0x7, v3;
	v4 =	vand.u32 $0xFFFFFFF0, v51  }
0x62: {  	v3 =	vor.u32 v3, v4  }
0x63: {  	v4 =	vperm.xlane v3, v0;
	_ =	sdelay $0x1  }
0x64: {  	v3 =	vperm.xlane v3, v2;
	v4 =	vadd.s32 v1, v4;
	_ =	sdelay $0x1  }
0x65: {  	v3 =	vadd.s32 v1, v3;
	_ =	sdelay $0x1  }
0x66: {  	s0 =	rddreg [dreg:$0x13]  }
0x67: {  	[tilespmem:s0], [sflag:$0x1] =	stream.indirect_vreg.gather [hbm4b:s2+s3], $0x80, v4, vm0, $0xb8;
	[tilespmem:$0x12200] =	vst v63  }
0x68: {  	s7 =	rddreg [dreg:$0x14]  }
0x69: {  	[tilespmem:s7], [sflag:$0x1] =	stream.indirect_vreg.gather [hbm4b:s2+s3], $0x80, v3, vm0, $0xb8;
	[tilespmem:$0x12200] =	vst v63  }
0x6a: {  	v3 =	vld [tilespmem:$0x80];
	_ =	sdelay $0x4  }
0x6b: {  	v52 =	vshll.u32 v3, $0x1  }
0x6c: {  	v3 =	vand.u32 $0x7, v3;
	v4 =	vand.u32 $0xFFFFFFF0, v52  }
0x6d: {  	v3 =	vor.u32 v3, v4  }
0x6e: {  	v4 =	vperm.xlane v3, v0;
	_ =	sdelay $0x1  }
0x6f: {  	v3 =	vperm.xlane v3, v2;
	v4 =	vadd.s32 v1, v4;
	_ =	sdelay $0x1  }
0x70: {  	v3 =	vadd.s32 v1, v3;
	_ =	sdelay $0x1  }
0x71: {  	s7 =	simm.s32 $0x6200  }
0x72: {  	[tilespmem:s7], [sflag:$0x1] =	stream.indirect_vreg.gather [hbm4b:s2+s3], $0x80, v4, vm0, $0xb8;
	[tilespmem:$0x12200] =	vst v63  }
0x73: {  	_ = 	snop  }
0x74: {  	[tilespmem:s8], [sflag:$0x1] =	stream.indirect_vreg.gather [hbm4b:s2+s3], $0x80, v3, vm0, $0xb8;
	[tilespmem:$0x12200] =	vst v63  }
0x75: {  	v3 =	vld [tilespmem:$0x90];
	_ =	sdelay $0x4  }
0x76: {  	v53 =	vshll.u32 v3, $0x1  }
0x77: {  	v3 =	vand.u32 $0x7, v3;
	v4 =	vand.u32 $0xFFFFFFF0, v53  }
0x78: {  	v3 =	vor.u32 v3, v4  }
0x79: {  	v4 =	vperm.xlane v3, v0;
	_ =	sdelay $0x1  }
0x7a: {  	v3 =	vperm.xlane v3, v2;
	v4 =	vadd.s32 v1, v4;
	_ =	sdelay $0x1  }
0x7b: {  	v3 =	vadd.s32 v1, v3;
	_ =	sdelay $0x2  }
0x7c: {  	[tilespmem:s9], [sflag:$0x1] =	stream.indirect_vreg.gather [hbm4b:s2+s3], $0x80, v4, vm0, $0xb8;
	[tilespmem:$0x12200] =	vst v63  }
0x7d: {  	_ = 	snop  }
0x7e: {  	[tilespmem:s10], [sflag:$0x1] =	stream.indirect_vreg.gather [hbm4b:s2+s3], $0x80, v3, vm0, $0xb8;
	[tilespmem:$0x12200] =	vst v63  }
0x7f: {  	v3 =	vld [tilespmem:$0xA0];
	_ =	sdelay $0x4  }
0x80: {  	v54 =	vshll.u32 v3, $0x1  }
0x81: {  	v3 =	vand.u32 $0x7, v3;
	v4 =	vand.u32 $0xFFFFFFF0, v54  }
0x82: {  	v3 =	vor.u32 v3, v4  }
0x83: {  	v4 =	vperm.xlane v3, v0;
	_ =	sdelay $0x1  }
0x84: {  	v3 =	vperm.xlane v3, v2;
	v4 =	vadd.s32 v1, v4;
	_ =	sdelay $0x1  }
0x85: {  	v3 =	vadd.s32 v1, v3;
	_ =	sdelay $0x2  }
0x86: {  	[tilespmem:s11], [sflag:$0x1] =	stream.indirect_vreg.gather [hbm4b:s2+s3], $0x80, v4, vm0, $0xb8;
	[tilespmem:$0x12200] =	vst v63  }
0x87: {  	_ = 	snop  }
0x88: {  	[tilespmem:s12], [sflag:$0x1] =	stream.indirect_vreg.gather [hbm4b:s2+s3], $0x80, v3, vm0, $0xb8;
	[tilespmem:$0x12200] =	vst v63  }
0x89: {  	v3 =	vld [tilespmem:$0xB0];
	_ =	sdelay $0x4  }
0x8a: {  	v55 =	vshll.u32 v3, $0x1  }
0x8b: {  	v3 =	vand.u32 $0x7, v3;
	v4 =	vand.u32 $0xFFFFFFF0, v55  }
0x8c: {  	v3 =	vor.u32 v3, v4  }
0x8d: {  	v4 =	vperm.xlane v3, v0;
	_ =	sdelay $0x1  }
0x8e: {  	v3 =	vperm.xlane v3, v2;
	v4 =	vadd.s32 v1, v4;
	_ =	sdelay $0x1  }
0x8f: {  	v3 =	vadd.s32 v1, v3;
	_ =	sdelay $0x2  }
0x90: {  	[tilespmem:s13], [sflag:$0x1] =	stream.indirect_vreg.gather [hbm4b:s2+s3], $0x80, v4, vm0, $0xb8;
	[tilespmem:$0x12200] =	vst v63  }
0x91: {  	_ = 	snop  }
0x92: {  	[tilespmem:s14], [sflag:$0x1] =	stream.indirect_vreg.gather [hbm4b:s2+s3], $0x80, v3, vm0, $0xb8;
	[tilespmem:$0x12200] =	vst v63  }
0x93: {  	v3 =	vld [tilespmem:$0xC0];
	_ =	sdelay $0x4  }
0x94: {  	v56 =	vshll.u32 v3, $0x1  }
0x95: {  	v3 =	vand.u32 $0x7, v3;
	v4 =	vand.u32 $0xFFFFFFF0, v56  }
0x96: {  	v3 =	vor.u32 v3, v4  }
0x97: {  	v4 =	vperm.xlane v3, v0;
	_ =	sdelay $0x1  }
0x98: {  	v3 =	vperm.xlane v3, v2;
	v4 =	vadd.s32 v1, v4;
	_ =	sdelay $0x1  }
0x99: {  	v3 =	vadd.s32 v1, v3;
	_ =	sdelay $0x2  }
0x9a: {  	[tilespmem:s15], [sflag:$0x1] =	stream.indirect_vreg.gather [hbm4b:s2+s3], $0x80, v4, vm0, $0xb8;
	[tilespmem:$0x12200] =	vst v63  }
0x9b: {  	_ = 	snop  }
0x9c: {  	[tilespmem:s16], [sflag:$0x1] =	stream.indirect_vreg.gather [hbm4b:s2+s3], $0x80, v3, vm0, $0xb8;
	[tilespmem:$0x12200] =	vst v63  }
0x9d: {  	v3 =	vld [tilespmem:$0xD0];
	_ =	sdelay $0x4  }
0x9e: {  	v57 =	vshll.u32 v3, $0x1  }
0x9f: {  	v3 =	vand.u32 $0x7, v3;
	v4 =	vand.u32 $0xFFFFFFF0, v57  }
0xa0: {  	v3 =	vor.u32 v3, v4  }
0xa1: {  	v4 =	vperm.xlane v3, v0;
	_ =	sdelay $0x1  }
0xa2: {  	v3 =	vperm.xlane v3, v2;
	v4 =	vadd.s32 v1, v4;
	_ =	sdelay $0x1  }
0xa3: {  	v3 =	vadd.s32 v1, v3;
	_ =	sdelay $0x2  }
0xa4: {  	[tilespmem:s17], [sflag:$0x1] =	stream.indirect_vreg.gather [hbm4b:s2+s3], $0x80, v4, vm0, $0xb8;
	[tilespmem:$0x12200] =	vst v63  }
0xa5: {  	_ = 	snop  }
0xa6: {  	[tilespmem:s18], [sflag:$0x1] =	stream.indirect_vreg.gather [hbm4b:s2+s3], $0x80, v3, vm0, $0xb8;
	[tilespmem:$0x12200] =	vst v63  }
0xa7: {  	v3 =	vld [tilespmem:$0x100];
	_ =	sdelay $0x4  }
0xa8: {  	v58 =	vshll.u32 v3, $0x1  }
0xa9: {  	v3 =	vand.u32 $0x7, v3;
	v4 =	vand.u32 $0xFFFFFFF0, v58  }
0xaa: {  	v3 =	vor.u32 v3, v4  }
0xab: {  	v4 =	vperm.xlane v3, v0;
	_ =	sdelay $0x1  }
0xac: {  	v3 =	vperm.xlane v3, v2;
	v4 =	vadd.s32 v1, v4;
	_ =	sdelay $0x1  }
0xad: {  	v3 =	vadd.s32 v1, v3;
	_ =	sdelay $0x2  }
0xae: {  	[tilespmem:s19], [sflag:$0x1] =	stream.indirect_vreg.gather [hbm4b:s2+s3], $0x80, v4, vm0, $0xb8;
	[tilespmem:$0x12200] =	vst v63  }
0xaf: {  	_ = 	snop  }
0xb0: {  	[tilespmem:s20], [sflag:$0x1] =	stream.indirect_vreg.gather [hbm4b:s2+s3], $0x80, v3, vm0, $0xb8;
	[tilespmem:$0x12200] =	vst v63  }
0xb1: {  	v3 =	vld [tilespmem:$0x110];
	_ =	sdelay $0x4  }
0xb2: {  	v59 =	vshll.u32 v3, $0x1  }
0xb3: {  	v3 =	vand.u32 $0x7, v3;
	v4 =	vand.u32 $0xFFFFFFF0, v59  }
0xb4: {  	v3 =	vor.u32 v3, v4  }
0xb5: {  	v4 =	vperm.xlane v3, v0;
	_ =	sdelay $0x1  }
0xb6: {  	v3 =	vperm.xlane v3, v2;
	v4 =	vadd.s32 v1, v4;
	_ =	sdelay $0x1  }
0xb7: {  	v3 =	vadd.s32 v1, v3;
	_ =	sdelay $0x2  }
0xb8: {  	[tilespmem:s21], [sflag:$0x1] =	stream.indirect_vreg.gather [hbm4b:s2+s3], $0x80, v4, vm0, $0xb8;
	[tilespmem:$0x12200] =	vst v63  }
0xb9: {  	_ = 	snop  }
0xba: {  	[tilespmem:s22], [sflag:$0x1] =	stream.indirect_vreg.gather [hbm4b:s2+s3], $0x80, v3, vm0, $0xb8;
	[tilespmem:$0x12200] =	vst v63  }
0xbb: {  	v3 =	vld [tilespmem:$0x120];
	_ =	sdelay $0x4  }
0xbc: {  	v60 =	vshll.u32 v3, $0x1  }
0xbd: {  	v3 =	vand.u32 $0x7, v3;
	v4 =	vand.u32 $0xFFFFFFF0, v60  }
0xbe: {  	v3 =	vor.u32 v3, v4  }
0xbf: {  	v4 =	vperm.xlane v3, v0;
	_ =	sdelay $0x1  }
0xc0: {  	v3 =	vperm.xlane v3, v2;
	v4 =	vadd.s32 v1, v4;
	_ =	sdelay $0x1  }
0xc1: {  	v3 =	vadd.s32 v1, v3;
	_ =	sdelay $0x2  }
0xc2: {  	[tilespmem:s23], [sflag:$0x1] =	stream.indirect_vreg.gather [hbm4b:s2+s3], $0x80, v4, vm0, $0xb8;
	[tilespmem:$0x12200] =	vst v63  }
0xc3: {  	_ = 	snop  }
0xc4: {  	[tilespmem:s24], [sflag:$0x1] =	stream.indirect_vreg.gather [hbm4b:s2+s3], $0x80, v3, vm0, $0xb8;
	[tilespmem:$0x12200] =	vst v63  }
0xc5: {  	v3 =	vld [tilespmem:$0x130];
	_ =	sdelay $0x4  }
0xc6: {  	v61 =	vshll.u32 v3, $0x1  }
0xc7: {  	v3 =	vand.u32 $0x7, v3;
	v4 =	vand.u32 $0xFFFFFFF0, v61  }
0xc8: {  	v3 =	vor.u32 v3, v4  }
0xc9: {  	v4 =	vperm.xlane v3, v0;
	_ =	sdelay $0x1  }
0xca: {  	v3 =	vperm.xlane v3, v2;
	v4 =	vadd.s32 v1, v4;
	_ =	sdelay $0x1  }
0xcb: {  	v3 =	vadd.s32 v1, v3;
	_ =	sdelay $0x2  }
0xcc: {  	[tilespmem:s25], [sflag:$0x1] =	stream.indirect_vreg.gather [hbm4b:s2+s3], $0x80, v4, vm0, $0xb8;
	[tilespmem:$0x12200] =	vst v63  }
0xcd: {  	_ = 	snop  }
0xce: {  	[tilespmem:s26], [sflag:$0x1] =	stream.indirect_vreg.gather [hbm4b:s2+s3], $0x80, v3, vm0, $0xb8;
	[tilespmem:$0x12200] =	vst v63  }
0xcf: {  	v3 =	vld [tilespmem:$0x140];
	_ =	sdelay $0x4  }
0xd0: {  	v62 =	vshll.u32 v3, $0x1  }
0xd1: {  	v3 =	vand.u32 $0x7, v3;
	v4 =	vand.u32 $0xFFFFFFF0, v62  }
0xd2: {  	v3 =	vor.u32 v3, v4  }
0xd3: {  	v4 =	vperm.xlane v3, v0;
	_ =	sdelay $0x1  }
0xd4: {  	v3 =	vperm.xlane v3, v2;
	v4 =	vadd.s32 v1, v4;
	_ =	sdelay $0x1  }
0xd5: {  	v3 =	vadd.s32 v1, v3;
	_ =	sdelay $0x2  }
0xd6: {  	[tilespmem:s28], [sflag:$0x1] =	stream.indirect_vreg.gather [hbm4b:s2+s3], $0x80, v4, vm0, $0xb8;
	[tilespmem:$0x12200] =	vst v63  }
0xd7: {  	_ = 	snop  }
0xd8: {  	[tilespmem:s29], [sflag:$0x1] =	stream.indirect_vreg.gather [hbm4b:s2+s3], $0x80, v3, vm0, $0xb8;
	[tilespmem:$0x12200] =	vst v63  }
0xd9: {  	v3 =	vld [tilespmem:$0x150];
	_ =	sdelay $0x4  }
0xda: {  	v63 =	vshll.u32 v3, $0x1  }
0xdb: {  	v3 =	vand.u32 $0x7, v3;
	v4 =	vand.u32 $0xFFFFFFF0, v63  }
0xdc: {  	v3 =	vor.u32 v3, v4  }
0xdd: {  	v4 =	vperm.xlane v3, v0;
	_ =	sdelay $0x1  }
0xde: {  	v3 =	vperm.xlane v3, v2;
	v4 =	vadd.s32 v1, v4;
	_ =	sdelay $0x1  }
0xdf: {  	v3 =	vadd.s32 v1, v3;
	_ =	sdelay $0x2  }
0xe0: {  	[tilespmem:s30], [sflag:$0x1] =	stream.indirect_vreg.gather [hbm4b:s2+s3], $0x80, v4, vm0, $0xb8;
	[tilespmem:$0x12200] =	vst v63  }
0xe1: {  	_ = 	snop  }
0xe2: {  	[tilespmem:s31], [sflag:$0x1] =	stream.indirect_vreg.gather [hbm4b:s2+s3], $0x80, v3, vm0, $0xb8;
	[tilespmem:$0x12200] =	vst v63  }
0xe3: {  	_ =	swait.ge [sflag:s1], $0x6000  }
0xe4: {  	[sflag:s1] =	ssyncset.done $0x0  }
0xe5: {  	[sflag:s1] =	ssyncadd.s32 $0xFFFFA000  }
0xe6: {  	_ =	swait.ge [sflag:s1], $0x6000  }
0xe7: {  	[sflag:s1] =	ssyncset.done $0x0  }
0xe8: {  	[sflag:s1] =	ssyncadd.s32 $0xFFFFA000  }
0xe9: {  	_ =	swait.ge [sflag:s1], $0x6000  }
0xea: {  	p0 =	sne.s32 s4, $0x1;
	[sflag:s1] =	ssyncset.done $0x0  }
.Ltmp0:
0xeb: {  	s7 =	rddreg [dreg:$0x7];
	[sflag:s1] =	ssyncadd.s32 $0xFFFFA000;
	(pc) =	sbr.rel @p0 .LBB2_1-.Ltmp0, $4  }
0xec: {  	[hbm4b:s7+s3] =	stream.linear.scatter [tilespmem:s6], [sflag:$0x2], $0x12000, $0x38;
	[tilespmem:$0x12200] =	vst v63  }
0xed: {  	_ =	swait.ge [sflag:s5], $0x12000  }
0xee: {  	[sflag:s5] =	ssyncset.done $0x0  }
0xef: {  	s4 =	sadd.s32 $0xFFFFFFFF, s4;
	[sflag:s5] =	ssyncadd.s32 $0xFFFEE000  }
0xf0: {  	_ =	sfence.sel $0x180000  }
0xf1: {  	[bflag:$0x0] =	sbarrier.arrive $0xFFFF  }
0xf2: {  	_ =	strace $0x90000047  }
0xf3: {  	s0 =	stileid.u32;
	[bflag:$0x2] =	sbarrier.arrive $0xFFFF  }
0xf4: {  	p0 =	sne.s32 s0, $0x0;
	s0 =	rddreg [dreg:$0x3]  }
0xf5: {  	s0 =	sadd.s32 @!p0 $0x100000, s0  }
0xf6: {  	[sflag:s0] =	ssyncadd.tile.s32 @!p0 $0x1;
	_ =	shalt  }
.Lfunc_end2:
_tile_overlayer_lowered:
.L_overlay_start_2:
0xf7: {  	(tag) =	ssettag $0x2  }
0xf8: {  	s0 =	rddreg [dreg:$0x0];
	s2 =	stileid.u32  }
0xf9: {  	s1 =	rddreg [dreg:$0x1];
	p0 =	sne.s32 s2, $0x0  }
0xfa: {  	s3 =	rddreg [dreg:$0x2];
	[bflag:$0x3] =	sbarrier.arrive $0xFFFF;
	s2 =	simm.s32 @!p0 $0x1C02  }
0xfb: {  	[timem:s3], [sflag:s2] =	dma.local @!p0 [hbm:s0], s1  }
0xfc: {  	s0 =	simm.s32 @!p0 $0x2  }
0xfd: {  	_ =	swait.ge @!p0 [sflag:s0], s1  }
0xfe: {  	s1 =	ssub.s32 @!p0 $0x0, s1;
	[sflag:s0] =	ssyncset.done @!p0 $0x0  }
0xff: {  	[sflag:s0] =	ssyncadd.s32 @!p0 s1  }
0x100: {  	[bflag:$0x3] =	sbarrier.arrive $0xFFFF  }
0x101: {  	_ =	shalt  }

</sc_bundles>
